<compile_context>
chip_gen: v7x
topology: tpu7x:2x2x1
jax: 0.10.2.dev20260603
libtpu: 0.0.44.dev20260713+nightly
codegen_flags: <defaults>
</compile_context>

<pallas_src>
import functools

import jax
import jax.numpy as jnp
from jax import lax
from jax.experimental import pallas as pl
from jax.experimental.pallas import tpu as pltpu
from jax.experimental.pallas import tpu_sc as plsc



_CHUNK = 128


def _make_sc_gather(V, D, NW, n_chunks):
    mesh = plsc.VectorSubcoreMesh(core_axis_name="c", subcore_axis_name="s")
    info = plsc.get_sparse_core_info()
    nc = info.num_cores

    @functools.partial(
        pl.kernel,
        mesh=mesh,
        out_type=jax.ShapeDtypeStruct((NW, n_chunks, _CHUNK, D), jnp.float32),
        scratch_types=[
            pltpu.VMEM((n_chunks, _CHUNK), jnp.int32),
            pltpu.VMEM((n_chunks, _CHUNK, D), jnp.float32),
            pltpu.SemaphoreType.DMA,
        ],
        compiler_params=pltpu.CompilerParams(use_tc_tiling_on_sc=False),
    )
    def gather_kernel(table_hbm, idx_hbm, out_hbm, idx_v, rows_v, sem):
        wid = lax.axis_index("s") * nc + lax.axis_index("c")
        pltpu.sync_copy(idx_hbm.at[wid], idx_v)
        copies = [
            pltpu.async_copy(table_hbm.at[idx_v.at[j]], rows_v.at[j], sem)
            for j in range(n_chunks)
        ]
        for c in copies:
            c.wait()
        pltpu.sync_copy(rows_v, out_hbm.at[wid])

    return gather_kernel



_VT = 2048
_NBUF = 4


def _make_mm_t(B, K, V):
    nfull = V // _VT
    rem = V - nfull * _VT
    nv = nfull + (1 if rem else 0)

    def body(w_hbm, a_ref, b_ref, o_hbm, w_buf, o_buf, w_sem, o_sem):
        i = pl.program_id(0)
        slot = lax.rem(i, _NBUF)

        def w_copy(j, slot_j):
            return pltpu.make_async_copy(
                w_hbm.at[pl.ds(j * _VT, _VT), :],
                w_buf.at[slot_j],
                w_sem.at[slot_j],
            )

        def w_copy_rem(slot_j):
            return pltpu.make_async_copy(
                w_hbm.at[pl.ds(nfull * _VT, rem), :],
                w_buf.at[slot_j, pl.ds(0, rem), :],
                w_sem.at[slot_j],
            )

        def start_w(j, slot_j):
            @pl.when(j < nfull)
            def _():
                w_copy(j, slot_j).start()
            if rem:
                @pl.when(j == nfull)
                def _():
                    w_copy_rem(slot_j).start()

        def wait_w(j, slot_j):
            @pl.when(j < nfull)
            def _():
                w_copy(j, slot_j).wait()
            if rem:
                @pl.when(j == nfull)
                def _():
                    w_copy_rem(slot_j).wait()

        def o_copy(j, slot_j, h):
            hh = _VT // 2
            return pltpu.make_async_copy(
                o_buf.at[slot_j, pl.ds(h * hh, hh), :],
                o_hbm.at[pl.ds(j * _VT + h * hh, hh), :],
                o_sem.at[slot_j, h],
            )

        def o_copy_rem(slot_j):
            return pltpu.make_async_copy(
                o_buf.at[slot_j, pl.ds(0, rem), :],
                o_hbm.at[pl.ds(nfull * _VT, rem), :],
                o_sem.at[slot_j, 0],
            )

        def start_o(j, slot_j):
            @pl.when(j < nfull)
            def _():
                o_copy(j, slot_j, 0).start()
                o_copy(j, slot_j, 1).start()
            if rem:
                @pl.when(j == nfull)
                def _():
                    o_copy_rem(slot_j).start()

        def wait_o(j, slot_j):
            @pl.when(j < nfull)
            def _():
                o_copy(j, slot_j, 0).wait()
                o_copy(j, slot_j, 1).wait()
            if rem:
                @pl.when(j == nfull)
                def _():
                    o_copy_rem(slot_j).wait()

        @pl.when(i == 0)
        def _():
            for j in range(min(_NBUF, nv)):
                start_w(j, j)

        wait_w(i, slot)

        @pl.when(i >= _NBUF)
        def _():
            wait_o(i - _NBUF, slot)

        a = jnp.maximum(a_ref[...], 0.0)
        o_buf[slot] = (
            lax.dot_general(
                w_buf[slot], a, (((1,), (1,)), ((), ())),
                preferred_element_type=jnp.float32,
            )
            + b_ref[0, pl.ds(i * _VT, _VT)][:, None]
        )

        start_o(i, slot)

        @pl.when(i + _NBUF < nv)
        def _():
            start_w(i + _NBUF, slot)

        @pl.when(i == nv - 1)
        def _():
            for k in range(min(_NBUF - 1, nv - 1)):
                j = i - (k + 1)
                wait_o(j, lax.rem(j, _NBUF))
            wait_o(i, slot)

    return pl.pallas_call(
        body,
        grid=(nv,),
        in_specs=[
            pl.BlockSpec(memory_space=pltpu.HBM),
            pl.BlockSpec((B, K), lambda i: (0, 0)),
            pl.BlockSpec((1, nv * _VT), lambda i: (0, 0)),
        ],
        out_specs=pl.BlockSpec(memory_space=pltpu.HBM),
        out_shape=jax.ShapeDtypeStruct((V, B), jnp.float32),
        scratch_shapes=[
            pltpu.VMEM((_NBUF, _VT, K), jnp.float32),
            pltpu.VMEM((_NBUF, _VT, B), jnp.float32),
            pltpu.SemaphoreType.DMA((_NBUF,)),
            pltpu.SemaphoreType.DMA((_NBUF, 2)),
        ],
        compiler_params=pltpu.CompilerParams(
            dimension_semantics=("arbitrary",),
            vmem_limit_bytes=100 * 1024 * 1024,
        ),
    )


def kernel(x, emb, W, b):
    B, CTX = x.shape
    V, D = emb.shape
    total = B * CTX
    NW = 32
    assert total % (NW * _CHUNK) == 0
    n_chunks = total // (NW * _CHUNK)

    idx = x.reshape(NW, n_chunks, _CHUNK).astype(jnp.int32)
    gathered = _make_sc_gather(V, D, NW, n_chunks)(emb, idx)
    a = gathered.reshape(B, CTX * D)

    nv = pl.cdiv(V, _VT)
    b_pad = jnp.zeros((1, nv * _VT), jnp.float32).at[0, :V].set(b)
    out_t = _make_mm_t(B, CTX * D, V)(W, a, b_pad)
    return out_t.T

# --- scband reference (transcript-rebuilt; emitter-appended) ---
"""Pipeline reference for scband-cbowffmodel-40819369181796 (READ-ONLY COPY).

The authoritative reference and input builder live on the scoring server;
editing this copy changes nothing except your own understanding.
"""

import jax, jax.numpy as jnp
import numpy as np

VOCAB = 100000
EMB_DIM = 32
BLOCK = 21
BATCH = 1024
CTX = BLOCK - 1

def setup_inputs(seed: int = 0) -> dict:
    key = jax.random.key(seed)
    k1, k2, k3 = jax.random.split(key, 3)
    x = jax.random.randint(k1, (BATCH, CTX), 0, VOCAB, dtype=jnp.int64) if jax.config.jax_enable_x64 else jax.random.randint(k1, (BATCH, CTX), 0, VOCAB, dtype=jnp.int32)
    emb = jax.random.normal(k2, (VOCAB, EMB_DIM), dtype=jnp.float32) * 0.02
    W = jax.random.normal(k3, (VOCAB, CTX * EMB_DIM), dtype=jnp.float32) * 0.02
    b = jnp.zeros((VOCAB,), dtype=jnp.float32)
    return {"x": x, "emb": emb, "W": W, "b": b}

def reference(x, emb, W, b):
    # CBOW: embedding lookup -> flatten -> ReLU -> linear classifier over vocab
    e = jnp.take(emb, x, axis=0)            # [B, CTX, EMB_DIM] gather
    flat = e.reshape(e.shape[0], -1)        # [B, CTX*EMB_DIM]
    a = jax.nn.relu(flat)
    out = a @ W.T + b                        # [B, VOCAB]
    return out

if __name__ == "__main__":
    import jax
    _d = setup_inputs()
    print(jax.jit(kernel)(*tuple(_d.values())))

</pallas_src>

<mosaic_0001>
#map = affine_map<(d0, d1) -> (0, 0)>
#map1 = affine_map<(d0, d1) -> (0, 0, 0)>
#map2 = affine_map<(d0, d1) -> (0, 0, 0, 0)>
module attributes {stable_mosaic.version = 14 : i64} {
  func.func @gather_kernel(%arg0: i32, %arg1: i32, %arg2: memref<100000x32xf32, #tpu.memory_space<hbm>>, %arg3: memref<32x5x128xi32, #tpu.memory_space<hbm>>, %arg4: memref<32x5x128x32xf32, #tpu.memory_space<hbm>>, %arg5: memref<5x128xi32, #tpu.memory_space<vmem>>, %arg6: memref<5x128x32xf32, #tpu.memory_space<vmem>>, %arg7: memref<!tpu.dma_semaphore, #tpu.memory_space<semaphore_mem>>) attributes {dimension_semantics = [#tpu.dimension_semantics<core_parallel>, #tpu.dimension_semantics<subcore_parallel>], iteration_bounds = array<i64: 2, 16>, scalar_prefetch = 0 : i64, scratch_operands = 3 : i64, tpu.core_type = #tpu.core_type<sc_vector_subcore>, window_params = [{transform_indices = #map}, {transform_indices = #map1}, {transform_indices = #map2}]} {
    %mul3A = arith.constant 2 : i32
    %mul3A_0 = arith.muli %arg1, %mul3A : i32
    %add3A = arith.addi %mul3A_0, %arg0 : i32
    "tpu.region"() ({
      %run_scoped3A = tpu.sem_alloc : memref<!tpu.dma_semaphore, #tpu.memory_space<semaphore_mem>>
      %dma_start3A_119 = arith.constant 0 : i32
      %dma_start3A_120 = arith.constant 0 : i32
      %dma_start3A_121 = tpu.memref_slice %arg3[%add3A, %dma_start3A_119, %dma_start3A_120] : memref<32x5x128xi32, #tpu.memory_space<hbm>> -> memref<1x5x128xi32, #tpu.memory_space<hbm>>
      %dma_start3A_122 = tpu.memref_squeeze %dma_start3A_121 : memref<1x5x128xi32, #tpu.memory_space<hbm>> -> memref<5x128xi32, #tpu.memory_space<hbm>>
      %dma_start3A_123 = arith.constant 0 : i32
      %dma_start3A_124 = arith.constant 0 : i32
      %dma_start3A_125 = tpu.memref_slice %arg3[%add3A, %dma_start3A_123, %dma_start3A_124] : memref<32x5x128xi32, #tpu.memory_space<hbm>> -> memref<1x5x128xi32, #tpu.memory_space<hbm>>
      %dma_start3A_126 = tpu.memref_squeeze %dma_start3A_125 : memref<1x5x128xi32, #tpu.memory_space<hbm>> -> memref<5x128xi32, #tpu.memory_space<hbm>>
      tpu.enqueue_dma source(%dma_start3A_126 : memref<5x128xi32, #tpu.memory_space<hbm>>) target(%arg5 : memref<5x128xi32, #tpu.memory_space<vmem>>) target_semaphore(%run_scoped3A : memref<!tpu.dma_semaphore, #tpu.memory_space<semaphore_mem>>)
      %dma_wait3A_127 = arith.constant 0 : i32
      %dma_wait3A_128 = arith.constant 0 : i32
      %dma_wait3A_129 = tpu.memref_slice %arg3[%add3A, %dma_wait3A_127, %dma_wait3A_128] : memref<32x5x128xi32, #tpu.memory_space<hbm>> -> memref<1x5x128xi32, #tpu.memory_space<hbm>>
      %dma_wait3A_130 = tpu.memref_squeeze %dma_wait3A_129 : memref<1x5x128xi32, #tpu.memory_space<hbm>> -> memref<5x128xi32, #tpu.memory_space<hbm>>
      %dma_wait3A_131 = arith.constant 0 : i32
      %dma_wait3A_132 = arith.constant 0 : i32
      %dma_wait3A_133 = tpu.memref_slice %arg3[%add3A, %dma_wait3A_131, %dma_wait3A_132] : memref<32x5x128xi32, #tpu.memory_space<hbm>> -> memref<1x5x128xi32, #tpu.memory_space<hbm>>
      %dma_wait3A_134 = tpu.memref_squeeze %dma_wait3A_133 : memref<1x5x128xi32, #tpu.memory_space<hbm>> -> memref<5x128xi32, #tpu.memory_space<hbm>>
      tpu.wait_dma2 semaphore(%run_scoped3A : memref<!tpu.dma_semaphore, #tpu.memory_space<semaphore_mem>>) src(%dma_wait3A_134 : memref<5x128xi32, #tpu.memory_space<hbm>>) dst(%arg5 : memref<5x128xi32, #tpu.memory_space<vmem>>)
      tpu.yield
    }) : () -> ()
    %dma_start3A = arith.constant 0 : i32
    %dma_start3A_1 = arith.constant 0 : i32
    %dma_start3A_2 = arith.constant 0 : i32
    %dma_start3A_3 = arith.constant 0 : i32
    %dma_start3A_4 = tpu.memref_slice %arg6[%dma_start3A_1, %dma_start3A_2, %dma_start3A_3] : memref<5x128x32xf32, #tpu.memory_space<vmem>> -> memref<1x128x32xf32, #tpu.memory_space<vmem>>
    %dma_start3A_5 = tpu.memref_squeeze %dma_start3A_4 : memref<1x128x32xf32, #tpu.memory_space<vmem>> -> memref<128x32xf32, #tpu.memory_space<vmem>>
    %dma_start3A_6 = arith.constant 0 : i32
    %dma_start3A_7 = tpu.memref_slice %arg5[%dma_start3A, %dma_start3A_6] : memref<5x128xi32, #tpu.memory_space<vmem>> -> memref<1x128xi32, #tpu.memory_space<vmem>>
    %dma_start3A_8 = tpu.memref_squeeze %dma_start3A_7 : memref<1x128xi32, #tpu.memory_space<vmem>> -> memref<128xi32, #tpu.memory_space<vmem>>
    %dma_start3A_9 = arith.constant 0 : i32
    %dma_start3A_10 = arith.constant 0 : i32
    %dma_start3A_11 = tpu.memref_slice %arg2[%dma_start3A_9, %dma_start3A_10] : memref<100000x32xf32, #tpu.memory_space<hbm>> -> memref<100000x32xf32, #tpu.memory_space<hbm>>
    tpu.enqueue_indirect_dma source(%dma_start3A_11 : memref<100000x32xf32, #tpu.memory_space<hbm>>) target(%dma_start3A_5 : memref<128x32xf32, #tpu.memory_space<vmem>>) offsets(%dma_start3A_8 : memref<128xi32, #tpu.memory_space<vmem>>) semaphore(%arg7 : memref<!tpu.dma_semaphore, #tpu.memory_space<semaphore_mem>>)
    %dma_start3A_12 = arith.constant 1 : i32
    %dma_start3A_13 = arith.constant 1 : i32
    %dma_start3A_14 = arith.constant 0 : i32
    %dma_start3A_15 = arith.constant 0 : i32
    %dma_start3A_16 = tpu.memref_slice %arg6[%dma_start3A_13, %dma_start3A_14, %dma_start3A_15] : memref<5x128x32xf32, #tpu.memory_space<vmem>> -> memref<1x128x32xf32, #tpu.memory_space<vmem>>
    %dma_start3A_17 = tpu.memref_squeeze %dma_start3A_16 : memref<1x128x32xf32, #tpu.memory_space<vmem>> -> memref<128x32xf32, #tpu.memory_space<vmem>>
    %dma_start3A_18 = arith.constant 0 : i32
    %dma_start3A_19 = tpu.memref_slice %arg5[%dma_start3A_12, %dma_start3A_18] : memref<5x128xi32, #tpu.memory_space<vmem>> -> memref<1x128xi32, #tpu.memory_space<vmem>>
    %dma_start3A_20 = tpu.memref_squeeze %dma_start3A_19 : memref<1x128xi32, #tpu.memory_space<vmem>> -> memref<128xi32, #tpu.memory_space<vmem>>
    %dma_start3A_21 = arith.constant 0 : i32
    %dma_start3A_22 = arith.constant 0 : i32
    %dma_start3A_23 = tpu.memref_slice %arg2[%dma_start3A_21, %dma_start3A_22] : memref<100000x32xf32, #tpu.memory_space<hbm>> -> memref<100000x32xf32, #tpu.memory_space<hbm>>
    tpu.enqueue_indirect_dma source(%dma_start3A_23 : memref<100000x32xf32, #tpu.memory_space<hbm>>) target(%dma_start3A_17 : memref<128x32xf32, #tpu.memory_space<vmem>>) offsets(%dma_start3A_20 : memref<128xi32, #tpu.memory_space<vmem>>) semaphore(%arg7 : memref<!tpu.dma_semaphore, #tpu.memory_space<semaphore_mem>>)
    %dma_start3A_24 = arith.constant 2 : i32
    %dma_start3A_25 = arith.constant 2 : i32
    %dma_start3A_26 = arith.constant 0 : i32
    %dma_start3A_27 = arith.constant 0 : i32
    %dma_start3A_28 = tpu.memref_slice %arg6[%dma_start3A_25, %dma_start3A_26, %dma_start3A_27] : memref<5x128x32xf32, #tpu.memory_space<vmem>> -> memref<1x128x32xf32, #tpu.memory_space<vmem>>
    %dma_start3A_29 = tpu.memref_squeeze %dma_start3A_28 : memref<1x128x32xf32, #tpu.memory_space<vmem>> -> memref<128x32xf32, #tpu.memory_space<vmem>>
    %dma_start3A_30 = arith.constant 0 : i32
    %dma_start3A_31 = tpu.memref_slice %arg5[%dma_start3A_24, %dma_start3A_30] : memref<5x128xi32, #tpu.memory_space<vmem>> -> memref<1x128xi32, #tpu.memory_space<vmem>>
    %dma_start3A_32 = tpu.memref_squeeze %dma_start3A_31 : memref<1x128xi32, #tpu.memory_space<vmem>> -> memref<128xi32, #tpu.memory_space<vmem>>
    %dma_start3A_33 = arith.constant 0 : i32
    %dma_start3A_34 = arith.constant 0 : i32
    %dma_start3A_35 = tpu.memref_slice %arg2[%dma_start3A_33, %dma_start3A_34] : memref<100000x32xf32, #tpu.memory_space<hbm>> -> memref<100000x32xf32, #tpu.memory_space<hbm>>
    tpu.enqueue_indirect_dma source(%dma_start3A_35 : memref<100000x32xf32, #tpu.memory_space<hbm>>) target(%dma_start3A_29 : memref<128x32xf32, #tpu.memory_space<vmem>>) offsets(%dma_start3A_32 : memref<128xi32, #tpu.memory_space<vmem>>) semaphore(%arg7 : memref<!tpu.dma_semaphore, #tpu.memory_space<semaphore_mem>>)
    %dma_start3A_36 = arith.constant 3 : i32
    %dma_start3A_37 = arith.constant 3 : i32
    %dma_start3A_38 = arith.constant 0 : i32
    %dma_start3A_39 = arith.constant 0 : i32
    %dma_start3A_40 = tpu.memref_slice %arg6[%dma_start3A_37, %dma_start3A_38, %dma_start3A_39] : memref<5x128x32xf32, #tpu.memory_space<vmem>> -> memref<1x128x32xf32, #tpu.memory_space<vmem>>
    %dma_start3A_41 = tpu.memref_squeeze %dma_start3A_40 : memref<1x128x32xf32, #tpu.memory_space<vmem>> -> memref<128x32xf32, #tpu.memory_space<vmem>>
    %dma_start3A_42 = arith.constant 0 : i32
    %dma_start3A_43 = tpu.memref_slice %arg5[%dma_start3A_36, %dma_start3A_42] : memref<5x128xi32, #tpu.memory_space<vmem>> -> memref<1x128xi32, #tpu.memory_space<vmem>>
    %dma_start3A_44 = tpu.memref_squeeze %dma_start3A_43 : memref<1x128xi32, #tpu.memory_space<vmem>> -> memref<128xi32, #tpu.memory_space<vmem>>
    %dma_start3A_45 = arith.constant 0 : i32
    %dma_start3A_46 = arith.constant 0 : i32
    %dma_start3A_47 = tpu.memref_slice %arg2[%dma_start3A_45, %dma_start3A_46] : memref<100000x32xf32, #tpu.memory_space<hbm>> -> memref<100000x32xf32, #tpu.memory_space<hbm>>
    tpu.enqueue_indirect_dma source(%dma_start3A_47 : memref<100000x32xf32, #tpu.memory_space<hbm>>) target(%dma_start3A_41 : memref<128x32xf32, #tpu.memory_space<vmem>>) offsets(%dma_start3A_44 : memref<128xi32, #tpu.memory_space<vmem>>) semaphore(%arg7 : memref<!tpu.dma_semaphore, #tpu.memory_space<semaphore_mem>>)
    %dma_start3A_48 = arith.constant 4 : i32
    %dma_start3A_49 = arith.constant 4 : i32
    %dma_start3A_50 = arith.constant 0 : i32
    %dma_start3A_51 = arith.constant 0 : i32
    %dma_start3A_52 = tpu.memref_slice %arg6[%dma_start3A_49, %dma_start3A_50, %dma_start3A_51] : memref<5x128x32xf32, #tpu.memory_space<vmem>> -> memref<1x128x32xf32, #tpu.memory_space<vmem>>
    %dma_start3A_53 = tpu.memref_squeeze %dma_start3A_52 : memref<1x128x32xf32, #tpu.memory_space<vmem>> -> memref<128x32xf32, #tpu.memory_space<vmem>>
    %dma_start3A_54 = arith.constant 0 : i32
    %dma_start3A_55 = tpu.memref_slice %arg5[%dma_start3A_48, %dma_start3A_54] : memref<5x128xi32, #tpu.memory_space<vmem>> -> memref<1x128xi32, #tpu.memory_space<vmem>>
    %dma_start3A_56 = tpu.memref_squeeze %dma_start3A_55 : memref<1x128xi32, #tpu.memory_space<vmem>> -> memref<128xi32, #tpu.memory_space<vmem>>
    %dma_start3A_57 = arith.constant 0 : i32
    %dma_start3A_58 = arith.constant 0 : i32
    %dma_start3A_59 = tpu.memref_slice %arg2[%dma_start3A_57, %dma_start3A_58] : memref<100000x32xf32, #tpu.memory_space<hbm>> -> memref<100000x32xf32, #tpu.memory_space<hbm>>
    tpu.enqueue_indirect_dma source(%dma_start3A_59 : memref<100000x32xf32, #tpu.memory_space<hbm>>) target(%dma_start3A_53 : memref<128x32xf32, #tpu.memory_space<vmem>>) offsets(%dma_start3A_56 : memref<128xi32, #tpu.memory_space<vmem>>) semaphore(%arg7 : memref<!tpu.dma_semaphore, #tpu.memory_space<semaphore_mem>>)
    %dma_wait3A = arith.constant 0 : i32
    %dma_wait3A_60 = arith.constant 0 : i32
    %dma_wait3A_61 = arith.constant 0 : i32
    %dma_wait3A_62 = arith.constant 0 : i32
    %dma_wait3A_63 = tpu.memref_slice %arg6[%dma_wait3A_60, %dma_wait3A_61, %dma_wait3A_62] : memref<5x128x32xf32, #tpu.memory_space<vmem>> -> memref<1x128x32xf32, #tpu.memory_space<vmem>>
    %dma_wait3A_64 = tpu.memref_squeeze %dma_wait3A_63 : memref<1x128x32xf32, #tpu.memory_space<vmem>> -> memref<128x32xf32, #tpu.memory_space<vmem>>
    %dma_wait3A_65 = arith.constant 0 : i32
    %dma_wait3A_66 = tpu.memref_slice %arg5[%dma_wait3A, %dma_wait3A_65] : memref<5x128xi32, #tpu.memory_space<vmem>> -> memref<1x128xi32, #tpu.memory_space<vmem>>
    %dma_wait3A_67 = tpu.memref_squeeze %dma_wait3A_66 : memref<1x128xi32, #tpu.memory_space<vmem>> -> memref<128xi32, #tpu.memory_space<vmem>>
    %dma_wait3A_68 = arith.constant 0 : i32
    %dma_wait3A_69 = arith.constant 0 : i32
    %dma_wait3A_70 = tpu.memref_slice %arg2[%dma_wait3A_68, %dma_wait3A_69] : memref<100000x32xf32, #tpu.memory_space<hbm>> -> memref<100000x32xf32, #tpu.memory_space<hbm>>
    tpu.wait_indirect_dma semaphore(%arg7 : memref<!tpu.dma_semaphore, #tpu.memory_space<semaphore_mem>>) src(%dma_wait3A_70 : memref<100000x32xf32, #tpu.memory_space<hbm>>) dst(%dma_wait3A_64 : memref<128x32xf32, #tpu.memory_space<vmem>>)
    %dma_wait3A_71 = arith.constant 1 : i32
    %dma_wait3A_72 = arith.constant 1 : i32
    %dma_wait3A_73 = arith.constant 0 : i32
    %dma_wait3A_74 = arith.constant 0 : i32
    %dma_wait3A_75 = tpu.memref_slice %arg6[%dma_wait3A_72, %dma_wait3A_73, %dma_wait3A_74] : memref<5x128x32xf32, #tpu.memory_space<vmem>> -> memref<1x128x32xf32, #tpu.memory_space<vmem>>
    %dma_wait3A_76 = tpu.memref_squeeze %dma_wait3A_75 : memref<1x128x32xf32, #tpu.memory_space<vmem>> -> memref<128x32xf32, #tpu.memory_space<vmem>>
    %dma_wait3A_77 = arith.constant 0 : i32
    %dma_wait3A_78 = tpu.memref_slice %arg5[%dma_wait3A_71, %dma_wait3A_77] : memref<5x128xi32, #tpu.memory_space<vmem>> -> memref<1x128xi32, #tpu.memory_space<vmem>>
    %dma_wait3A_79 = tpu.memref_squeeze %dma_wait3A_78 : memref<1x128xi32, #tpu.memory_space<vmem>> -> memref<128xi32, #tpu.memory_space<vmem>>
    %dma_wait3A_80 = arith.constant 0 : i32
    %dma_wait3A_81 = arith.constant 0 : i32
    %dma_wait3A_82 = tpu.memref_slice %arg2[%dma_wait3A_80, %dma_wait3A_81] : memref<100000x32xf32, #tpu.memory_space<hbm>> -> memref<100000x32xf32, #tpu.memory_space<hbm>>
    tpu.wait_indirect_dma semaphore(%arg7 : memref<!tpu.dma_semaphore, #tpu.memory_space<semaphore_mem>>) src(%dma_wait3A_82 : memref<100000x32xf32, #tpu.memory_space<hbm>>) dst(%dma_wait3A_76 : memref<128x32xf32, #tpu.memory_space<vmem>>)
    %dma_wait3A_83 = arith.constant 2 : i32
    %dma_wait3A_84 = arith.constant 2 : i32
    %dma_wait3A_85 = arith.constant 0 : i32
    %dma_wait3A_86 = arith.constant 0 : i32
    %dma_wait3A_87 = tpu.memref_slice %arg6[%dma_wait3A_84, %dma_wait3A_85, %dma_wait3A_86] : memref<5x128x32xf32, #tpu.memory_space<vmem>> -> memref<1x128x32xf32, #tpu.memory_space<vmem>>
    %dma_wait3A_88 = tpu.memref_squeeze %dma_wait3A_87 : memref<1x128x32xf32, #tpu.memory_space<vmem>> -> memref<128x32xf32, #tpu.memory_space<vmem>>
    %dma_wait3A_89 = arith.constant 0 : i32
    %dma_wait3A_90 = tpu.memref_slice %arg5[%dma_wait3A_83, %dma_wait3A_89] : memref<5x128xi32, #tpu.memory_space<vmem>> -> memref<1x128xi32, #tpu.memory_space<vmem>>
    %dma_wait3A_91 = tpu.memref_squeeze %dma_wait3A_90 : memref<1x128xi32, #tpu.memory_space<vmem>> -> memref<128xi32, #tpu.memory_space<vmem>>
    %dma_wait3A_92 = arith.constant 0 : i32
    %dma_wait3A_93 = arith.constant 0 : i32
    %dma_wait3A_94 = tpu.memref_slice %arg2[%dma_wait3A_92, %dma_wait3A_93] : memref<100000x32xf32, #tpu.memory_space<hbm>> -> memref<100000x32xf32, #tpu.memory_space<hbm>>
    tpu.wait_indirect_dma semaphore(%arg7 : memref<!tpu.dma_semaphore, #tpu.memory_space<semaphore_mem>>) src(%dma_wait3A_94 : memref<100000x32xf32, #tpu.memory_space<hbm>>) dst(%dma_wait3A_88 : memref<128x32xf32, #tpu.memory_space<vmem>>)
    %dma_wait3A_95 = arith.constant 3 : i32
    %dma_wait3A_96 = arith.constant 3 : i32
    %dma_wait3A_97 = arith.constant 0 : i32
    %dma_wait3A_98 = arith.constant 0 : i32
    %dma_wait3A_99 = tpu.memref_slice %arg6[%dma_wait3A_96, %dma_wait3A_97, %dma_wait3A_98] : memref<5x128x32xf32, #tpu.memory_space<vmem>> -> memref<1x128x32xf32, #tpu.memory_space<vmem>>
    %dma_wait3A_100 = tpu.memref_squeeze %dma_wait3A_99 : memref<1x128x32xf32, #tpu.memory_space<vmem>> -> memref<128x32xf32, #tpu.memory_space<vmem>>
    %dma_wait3A_101 = arith.constant 0 : i32
    %dma_wait3A_102 = tpu.memref_slice %arg5[%dma_wait3A_95, %dma_wait3A_101] : memref<5x128xi32, #tpu.memory_space<vmem>> -> memref<1x128xi32, #tpu.memory_space<vmem>>
    %dma_wait3A_103 = tpu.memref_squeeze %dma_wait3A_102 : memref<1x128xi32, #tpu.memory_space<vmem>> -> memref<128xi32, #tpu.memory_space<vmem>>
    %dma_wait3A_104 = arith.constant 0 : i32
    %dma_wait3A_105 = arith.constant 0 : i32
    %dma_wait3A_106 = tpu.memref_slice %arg2[%dma_wait3A_104, %dma_wait3A_105] : memref<100000x32xf32, #tpu.memory_space<hbm>> -> memref<100000x32xf32, #tpu.memory_space<hbm>>
    tpu.wait_indirect_dma semaphore(%arg7 : memref<!tpu.dma_semaphore, #tpu.memory_space<semaphore_mem>>) src(%dma_wait3A_106 : memref<100000x32xf32, #tpu.memory_space<hbm>>) dst(%dma_wait3A_100 : memref<128x32xf32, #tpu.memory_space<vmem>>)
    %dma_wait3A_107 = arith.constant 4 : i32
    %dma_wait3A_108 = arith.constant 4 : i32
    %dma_wait3A_109 = arith.constant 0 : i32
    %dma_wait3A_110 = arith.constant 0 : i32
    %dma_wait3A_111 = tpu.memref_slice %arg6[%dma_wait3A_108, %dma_wait3A_109, %dma_wait3A_110] : memref<5x128x32xf32, #tpu.memory_space<vmem>> -> memref<1x128x32xf32, #tpu.memory_space<vmem>>
    %dma_wait3A_112 = tpu.memref_squeeze %dma_wait3A_111 : memref<1x128x32xf32, #tpu.memory_space<vmem>> -> memref<128x32xf32, #tpu.memory_space<vmem>>
    %dma_wait3A_113 = arith.constant 0 : i32
    %dma_wait3A_114 = tpu.memref_slice %arg5[%dma_wait3A_107, %dma_wait3A_113] : memref<5x128xi32, #tpu.memory_space<vmem>> -> memref<1x128xi32, #tpu.memory_space<vmem>>
    %dma_wait3A_115 = tpu.memref_squeeze %dma_wait3A_114 : memref<1x128xi32, #tpu.memory_space<vmem>> -> memref<128xi32, #tpu.memory_space<vmem>>
    %dma_wait3A_116 = arith.constant 0 : i32
    %dma_wait3A_117 = arith.constant 0 : i32
    %dma_wait3A_118 = tpu.memref_slice %arg2[%dma_wait3A_116, %dma_wait3A_117] : memref<100000x32xf32, #tpu.memory_space<hbm>> -> memref<100000x32xf32, #tpu.memory_space<hbm>>
    tpu.wait_indirect_dma semaphore(%arg7 : memref<!tpu.dma_semaphore, #tpu.memory_space<semaphore_mem>>) src(%dma_wait3A_118 : memref<100000x32xf32, #tpu.memory_space<hbm>>) dst(%dma_wait3A_112 : memref<128x32xf32, #tpu.memory_space<vmem>>)
    "tpu.region"() ({
      %run_scoped3A = tpu.sem_alloc : memref<!tpu.dma_semaphore, #tpu.memory_space<semaphore_mem>>
      %dma_start3A_119 = arith.constant 0 : i32
      %dma_start3A_120 = arith.constant 0 : i32
      %dma_start3A_121 = arith.constant 0 : i32
      %dma_start3A_122 = tpu.memref_slice %arg4[%add3A, %dma_start3A_119, %dma_start3A_120, %dma_start3A_121] : memref<32x5x128x32xf32, #tpu.memory_space<hbm>> -> memref<1x5x128x32xf32, #tpu.memory_space<hbm>>
      %dma_start3A_123 = tpu.memref_squeeze %dma_start3A_122 : memref<1x5x128x32xf32, #tpu.memory_space<hbm>> -> memref<5x128x32xf32, #tpu.memory_space<hbm>>
      %dma_start3A_124 = arith.constant 0 : i32
      %dma_start3A_125 = arith.constant 0 : i32
      %dma_start3A_126 = arith.constant 0 : i32
      %dma_start3A_127 = tpu.memref_slice %arg4[%add3A, %dma_start3A_124, %dma_start3A_125, %dma_start3A_126] : memref<32x5x128x32xf32, #tpu.memory_space<hbm>> -> memref<1x5x128x32xf32, #tpu.memory_space<hbm>>
      %dma_start3A_128 = tpu.memref_squeeze %dma_start3A_127 : memref<1x5x128x32xf32, #tpu.memory_space<hbm>> -> memref<5x128x32xf32, #tpu.memory_space<hbm>>
      tpu.enqueue_dma source(%arg6 : memref<5x128x32xf32, #tpu.memory_space<vmem>>) target(%dma_start3A_128 : memref<5x128x32xf32, #tpu.memory_space<hbm>>) target_semaphore(%run_scoped3A : memref<!tpu.dma_semaphore, #tpu.memory_space<semaphore_mem>>)
      %dma_wait3A_129 = arith.constant 0 : i32
      %dma_wait3A_130 = arith.constant 0 : i32
      %dma_wait3A_131 = arith.constant 0 : i32
      %dma_wait3A_132 = tpu.memref_slice %arg4[%add3A, %dma_wait3A_129, %dma_wait3A_130, %dma_wait3A_131] : memref<32x5x128x32xf32, #tpu.memory_space<hbm>> -> memref<1x5x128x32xf32, #tpu.memory_space<hbm>>
      %dma_wait3A_133 = tpu.memref_squeeze %dma_wait3A_132 : memref<1x5x128x32xf32, #tpu.memory_space<hbm>> -> memref<5x128x32xf32, #tpu.memory_space<hbm>>
      %dma_wait3A_134 = arith.constant 0 : i32
      %dma_wait3A_135 = arith.constant 0 : i32
      %dma_wait3A_136 = arith.constant 0 : i32
      %dma_wait3A_137 = tpu.memref_slice %arg4[%add3A, %dma_wait3A_134, %dma_wait3A_135, %dma_wait3A_136] : memref<32x5x128x32xf32, #tpu.memory_space<hbm>> -> memref<1x5x128x32xf32, #tpu.memory_space<hbm>>
      %dma_wait3A_138 = tpu.memref_squeeze %dma_wait3A_137 : memref<1x5x128x32xf32, #tpu.memory_space<hbm>> -> memref<5x128x32xf32, #tpu.memory_space<hbm>>
      tpu.wait_dma2 semaphore(%run_scoped3A : memref<!tpu.dma_semaphore, #tpu.memory_space<semaphore_mem>>) src(%arg6 : memref<5x128x32xf32, #tpu.memory_space<vmem>>) dst(%dma_wait3A_138 : memref<5x128x32xf32, #tpu.memory_space<hbm>>)
      tpu.yield
    }) : () -> ()
    return
  }
}

module attributes {stable_mosaic.version = 14 : i64} {
  func.func @body(%arg0: i32, %arg1: memref<100000x640xf32, #tpu.memory_space<hbm>>, %arg2: memref<1024x640xf32, #tpu.memory_space<vmem>>, %arg3: memref<1x100352xf32, #tpu.memory_space<vmem>>, %arg4: memref<100000x1024xf32, #tpu.memory_space<hbm>>, %arg5: memref<4x2048x640xf32, #tpu.memory_space<vmem>>, %arg6: memref<4x2048x1024xf32, #tpu.memory_space<vmem>>, %arg7: memref<4x!tpu.dma_semaphore, #tpu.memory_space<semaphore_mem>>, %arg8: memref<4x2x!tpu.dma_semaphore, #tpu.memory_space<semaphore_mem>>) attributes {dimension_semantics = [#tpu.dimension_semantics<arbitrary>], iteration_bounds = array<i64: 49>, scalar_prefetch = 0 : i64, scratch_operands = 4 : i64, tpu.core_type = #tpu.core_type<tc>, window_params = [{}, {pipeline_mode = #tpu.pipeline_mode<synchronous>, transform_indices = @transform_1, window_bounds = array<i64: 1024, 640>}, {pipeline_mode = #tpu.pipeline_mode<synchronous>, transform_indices = @transform_2, window_bounds = array<i64: 1, 100352>}, {}]} {
    %rem3A = arith.constant 4 : i32
    %rem3A_0 = arith.remsi %arg0, %rem3A : i32
    %eq3A = arith.constant 0 : i32
    %eq3A_1 = arith.cmpi eq, %arg0, %eq3A : i32
    %convert_element_type3A = arith.extui %eq3A_1 : i1 to i32
    %cond3A = arith.constant 0 : i32
    %cond3A_2 = arith.cmpi ne, %convert_element_type3A, %cond3A : i32
    scf.if %cond3A_2 {
      %dma_start3A = arith.constant 0 : i32
      %dma_start3A_59 = arith.constant 0 : i32
      %dma_start3A_60 = tpu.memref_slice %arg7[%dma_start3A_59] : memref<4x!tpu.dma_semaphore, #tpu.memory_space<semaphore_mem>> -> memref<1x!tpu.dma_semaphore, #tpu.memory_space<semaphore_mem>>
      %dma_start3A_61 = tpu.memref_squeeze %dma_start3A_60 : memref<1x!tpu.dma_semaphore, #tpu.memory_space<semaphore_mem>> -> memref<!tpu.dma_semaphore, #tpu.memory_space<semaphore_mem>>
      %dma_start3A_62 = arith.constant 0 : i32
      %dma_start3A_63 = arith.constant 0 : i32
      %dma_start3A_64 = tpu.memref_slice %arg5[%dma_start3A, %dma_start3A_62, %dma_start3A_63] : memref<4x2048x640xf32, #tpu.memory_space<vmem>> -> memref<1x2048x640xf32, #tpu.memory_space<vmem>>
      %dma_start3A_65 = tpu.memref_squeeze %dma_start3A_64 : memref<1x2048x640xf32, #tpu.memory_space<vmem>> -> memref<2048x640xf32, #tpu.memory_space<vmem>>
      %dma_start3A_66 = arith.constant 0 : i32
      %dma_start3A_67 = arith.constant 0 : i32
      %dma_start3A_68 = tpu.memref_slice %arg1[%dma_start3A_66, %dma_start3A_67] : memref<100000x640xf32, #tpu.memory_space<hbm>> -> memref<2048x640xf32, #tpu.memory_space<hbm>>
      tpu.enqueue_dma source(%dma_start3A_68 : memref<2048x640xf32, #tpu.memory_space<hbm>>) target(%dma_start3A_65 : memref<2048x640xf32, #tpu.memory_space<vmem>>) target_semaphore(%dma_start3A_61 : memref<!tpu.dma_semaphore, #tpu.memory_space<semaphore_mem>>)
      %dma_start3A_69 = arith.constant 1 : i32
      %dma_start3A_70 = arith.constant 1 : i32
      %dma_start3A_71 = tpu.memref_slice %arg7[%dma_start3A_70] : memref<4x!tpu.dma_semaphore, #tpu.memory_space<semaphore_mem>> -> memref<1x!tpu.dma_semaphore, #tpu.memory_space<semaphore_mem>>
      %dma_start3A_72 = tpu.memref_squeeze %dma_start3A_71 : memref<1x!tpu.dma_semaphore, #tpu.memory_space<semaphore_mem>> -> memref<!tpu.dma_semaphore, #tpu.memory_space<semaphore_mem>>
      %dma_start3A_73 = arith.constant 0 : i32
      %dma_start3A_74 = arith.constant 0 : i32
      %dma_start3A_75 = tpu.memref_slice %arg5[%dma_start3A_69, %dma_start3A_73, %dma_start3A_74] : memref<4x2048x640xf32, #tpu.memory_space<vmem>> -> memref<1x2048x640xf32, #tpu.memory_space<vmem>>
      %dma_start3A_76 = tpu.memref_squeeze %dma_start3A_75 : memref<1x2048x640xf32, #tpu.memory_space<vmem>> -> memref<2048x640xf32, #tpu.memory_space<vmem>>
      %dma_start3A_77 = arith.constant 2048 : i32
      %dma_start3A_78 = arith.constant 0 : i32
      %dma_start3A_79 = tpu.memref_slice %arg1[%dma_start3A_77, %dma_start3A_78] : memref<100000x640xf32, #tpu.memory_space<hbm>> -> memref<2048x640xf32, #tpu.memory_space<hbm>>
      tpu.enqueue_dma source(%dma_start3A_79 : memref<2048x640xf32, #tpu.memory_space<hbm>>) target(%dma_start3A_76 : memref<2048x640xf32, #tpu.memory_space<vmem>>) target_semaphore(%dma_start3A_72 : memref<!tpu.dma_semaphore, #tpu.memory_space<semaphore_mem>>)
      %dma_start3A_80 = arith.constant 2 : i32
      %dma_start3A_81 = arith.constant 2 : i32
      %dma_start3A_82 = tpu.memref_slice %arg7[%dma_start3A_81] : memref<4x!tpu.dma_semaphore, #tpu.memory_space<semaphore_mem>> -> memref<1x!tpu.dma_semaphore, #tpu.memory_space<semaphore_mem>>
      %dma_start3A_83 = tpu.memref_squeeze %dma_start3A_82 : memref<1x!tpu.dma_semaphore, #tpu.memory_space<semaphore_mem>> -> memref<!tpu.dma_semaphore, #tpu.memory_space<semaphore_mem>>
      %dma_start3A_84 = arith.constant 0 : i32
      %dma_start3A_85 = arith.constant 0 : i32
      %dma_start3A_86 = tpu.memref_slice %arg5[%dma_start3A_80, %dma_start3A_84, %dma_start3A_85] : memref<4x2048x640xf32, #tpu.memory_space<vmem>> -> memref<1x2048x640xf32, #tpu.memory_space<vmem>>
      %dma_start3A_87 = tpu.memref_squeeze %dma_start3A_86 : memref<1x2048x640xf32, #tpu.memory_space<vmem>> -> memref<2048x640xf32, #tpu.memory_space<vmem>>
      %dma_start3A_88 = arith.constant 4096 : i32
      %dma_start3A_89 = arith.constant 0 : i32
      %dma_start3A_90 = tpu.memref_slice %arg1[%dma_start3A_88, %dma_start3A_89] : memref<100000x640xf32, #tpu.memory_space<hbm>> -> memref<2048x640xf32, #tpu.memory_space<hbm>>
      tpu.enqueue_dma source(%dma_start3A_90 : memref<2048x640xf32, #tpu.memory_space<hbm>>) target(%dma_start3A_87 : memref<2048x640xf32, #tpu.memory_space<vmem>>) target_semaphore(%dma_start3A_83 : memref<!tpu.dma_semaphore, #tpu.memory_space<semaphore_mem>>)
      %dma_start3A_91 = arith.constant 3 : i32
      %dma_start3A_92 = arith.constant 3 : i32
      %dma_start3A_93 = tpu.memref_slice %arg7[%dma_start3A_92] : memref<4x!tpu.dma_semaphore, #tpu.memory_space<semaphore_mem>> -> memref<1x!tpu.dma_semaphore, #tpu.memory_space<semaphore_mem>>
      %dma_start3A_94 = tpu.memref_squeeze %dma_start3A_93 : memref<1x!tpu.dma_semaphore, #tpu.memory_space<semaphore_mem>> -> memref<!tpu.dma_semaphore, #tpu.memory_space<semaphore_mem>>
      %dma_start3A_95 = arith.constant 0 : i32
      %dma_start3A_96 = arith.constant 0 : i32
      %dma_start3A_97 = tpu.memref_slice %arg5[%dma_start3A_91, %dma_start3A_95, %dma_start3A_96] : memref<4x2048x640xf32, #tpu.memory_space<vmem>> -> memref<1x2048x640xf32, #tpu.memory_space<vmem>>
      %dma_start3A_98 = tpu.memref_squeeze %dma_start3A_97 : memref<1x2048x640xf32, #tpu.memory_space<vmem>> -> memref<2048x640xf32, #tpu.memory_space<vmem>>
      %dma_start3A_99 = arith.constant 6144 : i32
      %dma_start3A_100 = arith.constant 0 : i32
      %dma_start3A_101 = tpu.memref_slice %arg1[%dma_start3A_99, %dma_start3A_100] : memref<100000x640xf32, #tpu.memory_space<hbm>> -> memref<2048x640xf32, #tpu.memory_space<hbm>>
      tpu.enqueue_dma source(%dma_start3A_101 : memref<2048x640xf32, #tpu.memory_space<hbm>>) target(%dma_start3A_98 : memref<2048x640xf32, #tpu.memory_space<vmem>>) target_semaphore(%dma_start3A_94 : memref<!tpu.dma_semaphore, #tpu.memory_space<semaphore_mem>>)
    } else {
    }
    %lt3A = arith.constant 48 : i32
    %lt3A_3 = arith.cmpi slt, %arg0, %lt3A : i32
    %convert_element_type3A_4 = arith.extui %lt3A_3 : i1 to i32
    %cond3A_5 = arith.constant 0 : i32
    %cond3A_6 = arith.cmpi ne, %convert_element_type3A_4, %cond3A_5 : i32
    scf.if %cond3A_6 {
      %mul3A_59 = arith.constant 2048 : i32
      %mul3A_60 = arith.muli %arg0, %mul3A_59 : i32
      %dma_wait3A = tpu.memref_slice %arg7[%rem3A_0] : memref<4x!tpu.dma_semaphore, #tpu.memory_space<semaphore_mem>> -> memref<1x!tpu.dma_semaphore, #tpu.memory_space<semaphore_mem>>
      %dma_wait3A_61 = tpu.memref_squeeze %dma_wait3A : memref<1x!tpu.dma_semaphore, #tpu.memory_space<semaphore_mem>> -> memref<!tpu.dma_semaphore, #tpu.memory_space<semaphore_mem>>
      %dma_wait3A_62 = arith.constant 0 : i32
      %dma_wait3A_63 = arith.constant 0 : i32
      %dma_wait3A_64 = tpu.memref_slice %arg5[%rem3A_0, %dma_wait3A_62, %dma_wait3A_63] : memref<4x2048x640xf32, #tpu.memory_space<vmem>> -> memref<1x2048x640xf32, #tpu.memory_space<vmem>>
      %dma_wait3A_65 = tpu.memref_squeeze %dma_wait3A_64 : memref<1x2048x640xf32, #tpu.memory_space<vmem>> -> memref<2048x640xf32, #tpu.memory_space<vmem>>
      %dma_wait3A_66 = arith.constant 0 : i32
      %dma_wait3A_67 = tpu.memref_slice %arg1[%mul3A_60, %dma_wait3A_66] : memref<100000x640xf32, #tpu.memory_space<hbm>> -> memref<2048x640xf32, #tpu.memory_space<hbm>>
      tpu.wait_dma2 semaphore(%dma_wait3A_61 : memref<!tpu.dma_semaphore, #tpu.memory_space<semaphore_mem>>) src(%dma_wait3A_67 : memref<2048x640xf32, #tpu.memory_space<hbm>>) dst(%dma_wait3A_65 : memref<2048x640xf32, #tpu.memory_space<vmem>>)
    } else {
    }
    %eq3A_7 = arith.constant 48 : i32
    %eq3A_8 = arith.cmpi eq, %arg0, %eq3A_7 : i32
    %convert_element_type3A_9 = arith.extui %eq3A_8 : i1 to i32
    %cond3A_10 = arith.constant 0 : i32
    %cond3A_11 = arith.cmpi ne, %convert_element_type3A_9, %cond3A_10 : i32
    scf.if %cond3A_11 {
      %dma_wait3A = tpu.memref_slice %arg7[%rem3A_0] : memref<4x!tpu.dma_semaphore, #tpu.memory_space<semaphore_mem>> -> memref<1x!tpu.dma_semaphore, #tpu.memory_space<semaphore_mem>>
      %dma_wait3A_59 = tpu.memref_squeeze %dma_wait3A : memref<1x!tpu.dma_semaphore, #tpu.memory_space<semaphore_mem>> -> memref<!tpu.dma_semaphore, #tpu.memory_space<semaphore_mem>>
      %dma_wait3A_60 = arith.constant 0 : i32
      %dma_wait3A_61 = arith.constant 0 : i32
      %dma_wait3A_62 = tpu.memref_slice %arg5[%rem3A_0, %dma_wait3A_60, %dma_wait3A_61] : memref<4x2048x640xf32, #tpu.memory_space<vmem>> -> memref<1x1696x640xf32, #tpu.memory_space<vmem>>
      %dma_wait3A_63 = tpu.memref_squeeze %dma_wait3A_62 : memref<1x1696x640xf32, #tpu.memory_space<vmem>> -> memref<1696x640xf32, #tpu.memory_space<vmem>>
      %dma_wait3A_64 = arith.constant 98304 : i32
      %dma_wait3A_65 = arith.constant 0 : i32
      %dma_wait3A_66 = tpu.memref_slice %arg1[%dma_wait3A_64, %dma_wait3A_65] : memref<100000x640xf32, #tpu.memory_space<hbm>> -> memref<1696x640xf32, #tpu.memory_space<hbm>>
      tpu.wait_dma2 semaphore(%dma_wait3A_59 : memref<!tpu.dma_semaphore, #tpu.memory_space<semaphore_mem>>) src(%dma_wait3A_66 : memref<1696x640xf32, #tpu.memory_space<hbm>>) dst(%dma_wait3A_63 : memref<1696x640xf32, #tpu.memory_space<vmem>>)
    } else {
    }
    %ge3A = arith.constant 4 : i32
    %ge3A_12 = arith.cmpi sge, %arg0, %ge3A : i32
    %convert_element_type3A_13 = arith.extui %ge3A_12 : i1 to i32
    %cond3A_14 = arith.constant 0 : i32
    %cond3A_15 = arith.cmpi ne, %convert_element_type3A_13, %cond3A_14 : i32
    scf.if %cond3A_15 {
      %sub3A = arith.constant 4 : i32
      %sub3A_59 = arith.subi %arg0, %sub3A : i32
      %lt3A_60 = arith.constant 48 : i32
      %lt3A_61 = arith.cmpi slt, %sub3A_59, %lt3A_60 : i32
      %convert_element_type3A_62 = arith.extui %lt3A_61 : i1 to i32
      %cond3A_63 = arith.constant 0 : i32
      %cond3A_64 = arith.cmpi ne, %convert_element_type3A_62, %cond3A_63 : i32
      scf.if %cond3A_64 {
        %mul3A_70 = arith.constant 2048 : i32
        %mul3A_71 = arith.muli %sub3A_59, %mul3A_70 : i32
        %add3A_72 = arith.constant 0 : i32
        %add3A_73 = arith.addi %mul3A_71, %add3A_72 : i32
        %dma_wait3A = arith.constant 0 : i32
        %dma_wait3A_74 = tpu.memref_slice %arg8[%rem3A_0, %dma_wait3A] : memref<4x2x!tpu.dma_semaphore, #tpu.memory_space<semaphore_mem>> -> memref<1x1x!tpu.dma_semaphore, #tpu.memory_space<semaphore_mem>>
        %dma_wait3A_75 = tpu.memref_squeeze %dma_wait3A_74 : memref<1x1x!tpu.dma_semaphore, #tpu.memory_space<semaphore_mem>> -> memref<!tpu.dma_semaphore, #tpu.memory_space<semaphore_mem>>
        %dma_wait3A_76 = arith.constant 0 : i32
        %dma_wait3A_77 = tpu.memref_slice %arg4[%add3A_73, %dma_wait3A_76] : memref<100000x1024xf32, #tpu.memory_space<hbm>> -> memref<1024x1024xf32, #tpu.memory_space<hbm>>
        %dma_wait3A_78 = arith.constant 0 : i32
        %dma_wait3A_79 = arith.constant 0 : i32
        %dma_wait3A_80 = tpu.memref_slice %arg6[%rem3A_0, %dma_wait3A_78, %dma_wait3A_79] : memref<4x2048x1024xf32, #tpu.memory_space<vmem>> -> memref<1x1024x1024xf32, #tpu.memory_space<vmem>>
        %dma_wait3A_81 = tpu.memref_squeeze %dma_wait3A_80 : memref<1x1024x1024xf32, #tpu.memory_space<vmem>> -> memref<1024x1024xf32, #tpu.memory_space<vmem>>
        tpu.wait_dma2 semaphore(%dma_wait3A_75 : memref<!tpu.dma_semaphore, #tpu.memory_space<semaphore_mem>>) src(%dma_wait3A_81 : memref<1024x1024xf32, #tpu.memory_space<vmem>>) dst(%dma_wait3A_77 : memref<1024x1024xf32, #tpu.memory_space<hbm>>)
        %mul3A_82 = arith.constant 2048 : i32
        %mul3A_83 = arith.muli %sub3A_59, %mul3A_82 : i32
        %add3A_84 = arith.constant 1024 : i32
        %add3A_85 = arith.addi %mul3A_83, %add3A_84 : i32
        %dma_wait3A_86 = arith.constant 1 : i32
        %dma_wait3A_87 = tpu.memref_slice %arg8[%rem3A_0, %dma_wait3A_86] : memref<4x2x!tpu.dma_semaphore, #tpu.memory_space<semaphore_mem>> -> memref<1x1x!tpu.dma_semaphore, #tpu.memory_space<semaphore_mem>>
        %dma_wait3A_88 = tpu.memref_squeeze %dma_wait3A_87 : memref<1x1x!tpu.dma_semaphore, #tpu.memory_space<semaphore_mem>> -> memref<!tpu.dma_semaphore, #tpu.memory_space<semaphore_mem>>
        %dma_wait3A_89 = arith.constant 0 : i32
        %dma_wait3A_90 = tpu.memref_slice %arg4[%add3A_85, %dma_wait3A_89] : memref<100000x1024xf32, #tpu.memory_space<hbm>> -> memref<1024x1024xf32, #tpu.memory_space<hbm>>
        %dma_wait3A_91 = arith.constant 1024 : i32
        %dma_wait3A_92 = arith.constant 0 : i32
        %dma_wait3A_93 = tpu.memref_slice %arg6[%rem3A_0, %dma_wait3A_91, %dma_wait3A_92] : memref<4x2048x1024xf32, #tpu.memory_space<vmem>> -> memref<1x1024x1024xf32, #tpu.memory_space<vmem>>
        %dma_wait3A_94 = tpu.memref_squeeze %dma_wait3A_93 : memref<1x1024x1024xf32, #tpu.memory_space<vmem>> -> memref<1024x1024xf32, #tpu.memory_space<vmem>>
        tpu.wait_dma2 semaphore(%dma_wait3A_88 : memref<!tpu.dma_semaphore, #tpu.memory_space<semaphore_mem>>) src(%dma_wait3A_94 : memref<1024x1024xf32, #tpu.memory_space<vmem>>) dst(%dma_wait3A_90 : memref<1024x1024xf32, #tpu.memory_space<hbm>>)
      } else {
      }
      %eq3A_65 = arith.constant 48 : i32
      %eq3A_66 = arith.cmpi eq, %sub3A_59, %eq3A_65 : i32
      %convert_element_type3A_67 = arith.extui %eq3A_66 : i1 to i32
      %cond3A_68 = arith.constant 0 : i32
      %cond3A_69 = arith.cmpi ne, %convert_element_type3A_67, %cond3A_68 : i32
      scf.if %cond3A_69 {
        %dma_wait3A = arith.constant 0 : i32
        %dma_wait3A_70 = tpu.memref_slice %arg8[%rem3A_0, %dma_wait3A] : memref<4x2x!tpu.dma_semaphore, #tpu.memory_space<semaphore_mem>> -> memref<1x1x!tpu.dma_semaphore, #tpu.memory_space<semaphore_mem>>
        %dma_wait3A_71 = tpu.memref_squeeze %dma_wait3A_70 : memref<1x1x!tpu.dma_semaphore, #tpu.memory_space<semaphore_mem>> -> memref<!tpu.dma_semaphore, #tpu.memory_space<semaphore_mem>>
        %dma_wait3A_72 = arith.constant 98304 : i32
        %dma_wait3A_73 = arith.constant 0 : i32
        %dma_wait3A_74 = tpu.memref_slice %arg4[%dma_wait3A_72, %dma_wait3A_73] : memref<100000x1024xf32, #tpu.memory_space<hbm>> -> memref<1696x1024xf32, #tpu.memory_space<hbm>>
        %dma_wait3A_75 = arith.constant 0 : i32
        %dma_wait3A_76 = arith.constant 0 : i32
        %dma_wait3A_77 = tpu.memref_slice %arg6[%rem3A_0, %dma_wait3A_75, %dma_wait3A_76] : memref<4x2048x1024xf32, #tpu.memory_space<vmem>> -> memref<1x1696x1024xf32, #tpu.memory_space<vmem>>
        %dma_wait3A_78 = tpu.memref_squeeze %dma_wait3A_77 : memref<1x1696x1024xf32, #tpu.memory_space<vmem>> -> memref<1696x1024xf32, #tpu.memory_space<vmem>>
        tpu.wait_dma2 semaphore(%dma_wait3A_71 : memref<!tpu.dma_semaphore, #tpu.memory_space<semaphore_mem>>) src(%dma_wait3A_78 : memref<1696x1024xf32, #tpu.memory_space<vmem>>) dst(%dma_wait3A_74 : memref<1696x1024xf32, #tpu.memory_space<hbm>>)
      } else {
      }
    } else {
    }
    %get3A = arith.constant 0 : index
    %get3A_16 = arith.constant 0 : index
    %get3A_17 = vector.load %arg2[%get3A, %get3A_16] : memref<1024x640xf32, #tpu.memory_space<vmem>>, vector<1024x640xf32>
    %max3A = arith.constant 0.000000e+00 : f32
    %max3A_18 = vector.broadcast %max3A : f32 to vector<1024x640xf32>
    %max3A_19 = arith.maximumf %get3A_17, %max3A_18 : vector<1024x640xf32>
    %get3A_20 = arith.index_cast %rem3A_0 : i32 to index
    %get3A_21 = arith.constant 0 : index
    %get3A_22 = arith.constant 0 : index
    %get3A_23 = vector.load %arg5[%get3A_20, %get3A_21, %get3A_22] : memref<4x2048x640xf32, #tpu.memory_space<vmem>>, vector<1x2048x640xf32>
    %get3A_24 = vector.shape_cast %get3A_23 : vector<1x2048x640xf32> to vector<2048x640xf32>
    %dot_general3A = arith.constant dense<0.000000e+00> : vector<2048x1024xf32>
    %dot_general3A_25 = tpu.matmul %get3A_24, %max3A_19, %dot_general3A {dimension_numbers = #tpu.dot_dimension_numbers<[1], [1], [0], [0], [0, 0, 1, 0], [], []>, transpose_lhs_hint = false} : vector<2048x640xf32>, vector<1024x640xf32>, vector<2048x1024xf32> -> vector<2048x1024xf32>
    %mul3A = arith.constant 2048 : i32
    %mul3A_26 = arith.muli %arg0, %mul3A : i32
    %get3A_27 = arith.constant 0 : index
    %get3A_28 = arith.index_cast %mul3A_26 : i32 to index
    %get3A_29 = vector.load %arg3[%get3A_27, %get3A_28] : memref<1x100352xf32, #tpu.memory_space<vmem>>, vector<1x2048xf32>
    %get3A_30 = vector.shape_cast %get3A_29 : vector<1x2048xf32> to vector<2048xf32>
    %broadcast_in_dim3A = vector.shape_cast %get3A_30 : vector<2048xf32> to vector<2048x1xf32>
    %add3A = vector.broadcast %broadcast_in_dim3A : vector<2048x1xf32> to vector<2048x1024xf32>
    %add3A_31 = arith.addf %dot_general3A_25, %add3A : vector<2048x1024xf32>
    %swap3A = arith.index_cast %rem3A_0 : i32 to index
    %swap3A_32 = arith.constant 0 : index
    %swap3A_33 = arith.constant 0 : index
    %swap3A_34 = vector.load %arg6[%swap3A, %swap3A_32, %swap3A_33] : memref<4x2048x1024xf32, #tpu.memory_space<vmem>>, vector<1x2048x1024xf32>
    %swap3A_35 = vector.shape_cast %swap3A_34 : vector<1x2048x1024xf32> to vector<2048x1024xf32>
    %swap3A_36 = vector.shape_cast %add3A_31 : vector<2048x1024xf32> to vector<1x2048x1024xf32>
    tpu.vector_store %arg6[%swap3A, %swap3A_32, %swap3A_33], %swap3A_36 {strides = array<i32>} : memref<4x2048x1024xf32, #tpu.memory_space<vmem>>, vector<1x2048x1024xf32>,
    %lt3A_37 = arith.constant 48 : i32
    %lt3A_38 = arith.cmpi slt, %arg0, %lt3A_37 : i32
    %convert_element_type3A_39 = arith.extui %lt3A_38 : i1 to i32
    %cond3A_40 = arith.constant 0 : i32
    %cond3A_41 = arith.cmpi ne, %convert_element_type3A_39, %cond3A_40 : i32
    scf.if %cond3A_41 {
      %mul3A_59 = arith.constant 2048 : i32
      %mul3A_60 = arith.muli %arg0, %mul3A_59 : i32
      %add3A_61 = arith.constant 0 : i32
      %add3A_62 = arith.addi %mul3A_60, %add3A_61 : i32
      %dma_start3A = arith.constant 0 : i32
      %dma_start3A_63 = tpu.memref_slice %arg8[%rem3A_0, %dma_start3A] : memref<4x2x!tpu.dma_semaphore, #tpu.memory_space<semaphore_mem>> -> memref<1x1x!tpu.dma_semaphore, #tpu.memory_space<semaphore_mem>>
      %dma_start3A_64 = tpu.memref_squeeze %dma_start3A_63 : memref<1x1x!tpu.dma_semaphore, #tpu.memory_space<semaphore_mem>> -> memref<!tpu.dma_semaphore, #tpu.memory_space<semaphore_mem>>
      %dma_start3A_65 = arith.constant 0 : i32
      %dma_start3A_66 = tpu.memref_slice %arg4[%add3A_62, %dma_start3A_65] : memref<100000x1024xf32, #tpu.memory_space<hbm>> -> memref<1024x1024xf32, #tpu.memory_space<hbm>>
      %dma_start3A_67 = arith.constant 0 : i32
      %dma_start3A_68 = arith.constant 0 : i32
      %dma_start3A_69 = tpu.memref_slice %arg6[%rem3A_0, %dma_start3A_67, %dma_start3A_68] : memref<4x2048x1024xf32, #tpu.memory_space<vmem>> -> memref<1x1024x1024xf32, #tpu.memory_space<vmem>>
      %dma_start3A_70 = tpu.memref_squeeze %dma_start3A_69 : memref<1x1024x1024xf32, #tpu.memory_space<vmem>> -> memref<1024x1024xf32, #tpu.memory_space<vmem>>
      tpu.enqueue_dma source(%dma_start3A_70 : memref<1024x1024xf32, #tpu.memory_space<vmem>>) target(%dma_start3A_66 : memref<1024x1024xf32, #tpu.memory_space<hbm>>) target_semaphore(%dma_start3A_64 : memref<!tpu.dma_semaphore, #tpu.memory_space<semaphore_mem>>)
      %mul3A_71 = arith.constant 2048 : i32
      %mul3A_72 = arith.muli %arg0, %mul3A_71 : i32
      %add3A_73 = arith.constant 1024 : i32
      %add3A_74 = arith.addi %mul3A_72, %add3A_73 : i32
      %dma_start3A_75 = arith.constant 1 : i32
      %dma_start3A_76 = tpu.memref_slice %arg8[%rem3A_0, %dma_start3A_75] : memref<4x2x!tpu.dma_semaphore, #tpu.memory_space<semaphore_mem>> -> memref<1x1x!tpu.dma_semaphore, #tpu.memory_space<semaphore_mem>>
      %dma_start3A_77 = tpu.memref_squeeze %dma_start3A_76 : memref<1x1x!tpu.dma_semaphore, #tpu.memory_space<semaphore_mem>> -> memref<!tpu.dma_semaphore, #tpu.memory_space<semaphore_mem>>
      %dma_start3A_78 = arith.constant 0 : i32
      %dma_start3A_79 = tpu.memref_slice %arg4[%add3A_74, %dma_start3A_78] : memref<100000x1024xf32, #tpu.memory_space<hbm>> -> memref<1024x1024xf32, #tpu.memory_space<hbm>>
      %dma_start3A_80 = arith.constant 1024 : i32
      %dma_start3A_81 = arith.constant 0 : i32
      %dma_start3A_82 = tpu.memref_slice %arg6[%rem3A_0, %dma_start3A_80, %dma_start3A_81] : memref<4x2048x1024xf32, #tpu.memory_space<vmem>> -> memref<1x1024x1024xf32, #tpu.memory_space<vmem>>
      %dma_start3A_83 = tpu.memref_squeeze %dma_start3A_82 : memref<1x1024x1024xf32, #tpu.memory_space<vmem>> -> memref<1024x1024xf32, #tpu.memory_space<vmem>>
      tpu.enqueue_dma source(%dma_start3A_83 : memref<1024x1024xf32, #tpu.memory_space<vmem>>) target(%dma_start3A_79 : memref<1024x1024xf32, #tpu.memory_space<hbm>>) target_semaphore(%dma_start3A_77 : memref<!tpu.dma_semaphore, #tpu.memory_space<semaphore_mem>>)
    } else {
    }
    %eq3A_42 = arith.constant 48 : i32
    %eq3A_43 = arith.cmpi eq, %arg0, %eq3A_42 : i32
    %convert_element_type3A_44 = arith.extui %eq3A_43 : i1 to i32
    %cond3A_45 = arith.constant 0 : i32
    %cond3A_46 = arith.cmpi ne, %convert_element_type3A_44, %cond3A_45 : i32
    scf.if %cond3A_46 {
      %dma_start3A = arith.constant 0 : i32
      %dma_start3A_59 = tpu.memref_slice %arg8[%rem3A_0, %dma_start3A] : memref<4x2x!tpu.dma_semaphore, #tpu.memory_space<semaphore_mem>> -> memref<1x1x!tpu.dma_semaphore, #tpu.memory_space<semaphore_mem>>
      %dma_start3A_60 = tpu.memref_squeeze %dma_start3A_59 : memref<1x1x!tpu.dma_semaphore, #tpu.memory_space<semaphore_mem>> -> memref<!tpu.dma_semaphore, #tpu.memory_space<semaphore_mem>>
      %dma_start3A_61 = arith.constant 98304 : i32
      %dma_start3A_62 = arith.constant 0 : i32
      %dma_start3A_63 = tpu.memref_slice %arg4[%dma_start3A_61, %dma_start3A_62] : memref<100000x1024xf32, #tpu.memory_space<hbm>> -> memref<1696x1024xf32, #tpu.memory_space<hbm>>
      %dma_start3A_64 = arith.constant 0 : i32
      %dma_start3A_65 = arith.constant 0 : i32
      %dma_start3A_66 = tpu.memref_slice %arg6[%rem3A_0, %dma_start3A_64, %dma_start3A_65] : memref<4x2048x1024xf32, #tpu.memory_space<vmem>> -> memref<1x1696x1024xf32, #tpu.memory_space<vmem>>
      %dma_start3A_67 = tpu.memref_squeeze %dma_start3A_66 : memref<1x1696x1024xf32, #tpu.memory_space<vmem>> -> memref<1696x1024xf32, #tpu.memory_space<vmem>>
      tpu.enqueue_dma source(%dma_start3A_67 : memref<1696x1024xf32, #tpu.memory_space<vmem>>) target(%dma_start3A_63 : memref<1696x1024xf32, #tpu.memory_space<hbm>>) target_semaphore(%dma_start3A_60 : memref<!tpu.dma_semaphore, #tpu.memory_space<semaphore_mem>>)
    } else {
    }
    %add3A_47 = arith.constant 4 : i32
    %add3A_48 = arith.addi %arg0, %add3A_47 : i32
    %lt3A_49 = arith.constant 49 : i32
    %lt3A_50 = arith.cmpi slt, %add3A_48, %lt3A_49 : i32
    %convert_element_type3A_51 = arith.extui %lt3A_50 : i1 to i32
    %cond3A_52 = arith.constant 0 : i32
    %cond3A_53 = arith.cmpi ne, %convert_element_type3A_51, %cond3A_52 : i32
    scf.if %cond3A_53 {
      %add3A_59 = arith.constant 4 : i32
      %add3A_60 = arith.addi %arg0, %add3A_59 : i32
      %lt3A_61 = arith.constant 48 : i32
      %lt3A_62 = arith.cmpi slt, %add3A_60, %lt3A_61 : i32
      %convert_element_type3A_63 = arith.extui %lt3A_62 : i1 to i32
      %cond3A_64 = arith.constant 0 : i32
      %cond3A_65 = arith.cmpi ne, %convert_element_type3A_63, %cond3A_64 : i32
      scf.if %cond3A_65 {
        %mul3A_71 = arith.constant 2048 : i32
        %mul3A_72 = arith.muli %add3A_60, %mul3A_71 : i32
        %dma_start3A = tpu.memref_slice %arg7[%rem3A_0] : memref<4x!tpu.dma_semaphore, #tpu.memory_space<semaphore_mem>> -> memref<1x!tpu.dma_semaphore, #tpu.memory_space<semaphore_mem>>
        %dma_start3A_73 = tpu.memref_squeeze %dma_start3A : memref<1x!tpu.dma_semaphore, #tpu.memory_space<semaphore_mem>> -> memref<!tpu.dma_semaphore, #tpu.memory_space<semaphore_mem>>
        %dma_start3A_74 = arith.constant 0 : i32
        %dma_start3A_75 = arith.constant 0 : i32
        %dma_start3A_76 = tpu.memref_slice %arg5[%rem3A_0, %dma_start3A_74, %dma_start3A_75] : memref<4x2048x640xf32, #tpu.memory_space<vmem>> -> memref<1x2048x640xf32, #tpu.memory_space<vmem>>
        %dma_start3A_77 = tpu.memref_squeeze %dma_start3A_76 : memref<1x2048x640xf32, #tpu.memory_space<vmem>> -> memref<2048x640xf32, #tpu.memory_space<vmem>>
        %dma_start3A_78 = arith.constant 0 : i32
        %dma_start3A_79 = tpu.memref_slice %arg1[%mul3A_72, %dma_start3A_78] : memref<100000x640xf32, #tpu.memory_space<hbm>> -> memref<2048x640xf32, #tpu.memory_space<hbm>>
        tpu.enqueue_dma source(%dma_start3A_79 : memref<2048x640xf32, #tpu.memory_space<hbm>>) target(%dma_start3A_77 : memref<2048x640xf32, #tpu.memory_space<vmem>>) target_semaphore(%dma_start3A_73 : memref<!tpu.dma_semaphore, #tpu.memory_space<semaphore_mem>>)
      } else {
      }
      %eq3A_66 = arith.constant 48 : i32
      %eq3A_67 = arith.cmpi eq, %add3A_60, %eq3A_66 : i32
      %convert_element_type3A_68 = arith.extui %eq3A_67 : i1 to i32
      %cond3A_69 = arith.constant 0 : i32
      %cond3A_70 = arith.cmpi ne, %convert_element_type3A_68, %cond3A_69 : i32
      scf.if %cond3A_70 {
        %dma_start3A = tpu.memref_slice %arg7[%rem3A_0] : memref<4x!tpu.dma_semaphore, #tpu.memory_space<semaphore_mem>> -> memref<1x!tpu.dma_semaphore, #tpu.memory_space<semaphore_mem>>
        %dma_start3A_71 = tpu.memref_squeeze %dma_start3A : memref<1x!tpu.dma_semaphore, #tpu.memory_space<semaphore_mem>> -> memref<!tpu.dma_semaphore, #tpu.memory_space<semaphore_mem>>
        %dma_start3A_72 = arith.constant 0 : i32
        %dma_start3A_73 = arith.constant 0 : i32
        %dma_start3A_74 = tpu.memref_slice %arg5[%rem3A_0, %dma_start3A_72, %dma_start3A_73] : memref<4x2048x640xf32, #tpu.memory_space<vmem>> -> memref<1x1696x640xf32, #tpu.memory_space<vmem>>
        %dma_start3A_75 = tpu.memref_squeeze %dma_start3A_74 : memref<1x1696x640xf32, #tpu.memory_space<vmem>> -> memref<1696x640xf32, #tpu.memory_space<vmem>>
        %dma_start3A_76 = arith.constant 98304 : i32
        %dma_start3A_77 = arith.constant 0 : i32
        %dma_start3A_78 = tpu.memref_slice %arg1[%dma_start3A_76, %dma_start3A_77] : memref<100000x640xf32, #tpu.memory_space<hbm>> -> memref<1696x640xf32, #tpu.memory_space<hbm>>
        tpu.enqueue_dma source(%dma_start3A_78 : memref<1696x640xf32, #tpu.memory_space<hbm>>) target(%dma_start3A_75 : memref<1696x640xf32, #tpu.memory_space<vmem>>) target_semaphore(%dma_start3A_71 : memref<!tpu.dma_semaphore, #tpu.memory_space<semaphore_mem>>)
      } else {
      }
    } else {
    }
    %eq3A_54 = arith.constant 48 : i32
    %eq3A_55 = arith.cmpi eq, %arg0, %eq3A_54 : i32
    %convert_element_type3A_56 = arith.extui %eq3A_55 : i1 to i32
    %cond3A_57 = arith.constant 0 : i32
    %cond3A_58 = arith.cmpi ne, %convert_element_type3A_56, %cond3A_57 : i32
    scf.if %cond3A_58 {
      %sub3A = arith.constant 1 : i32
      %sub3A_59 = arith.subi %arg0, %sub3A : i32
      %rem3A_60 = arith.constant 4 : i32
      %rem3A_61 = arith.remsi %sub3A_59, %rem3A_60 : i32
      %lt3A_62 = arith.constant 48 : i32
      %lt3A_63 = arith.cmpi slt, %sub3A_59, %lt3A_62 : i32
      %convert_element_type3A_64 = arith.extui %lt3A_63 : i1 to i32
      %cond3A_65 = arith.constant 0 : i32
      %cond3A_66 = arith.cmpi ne, %convert_element_type3A_64, %cond3A_65 : i32
      scf.if %cond3A_66 {
        %mul3A_110 = arith.constant 2048 : i32
        %mul3A_111 = arith.muli %sub3A_59, %mul3A_110 : i32
        %add3A_112 = arith.constant 0 : i32
        %add3A_113 = arith.addi %mul3A_111, %add3A_112 : i32
        %dma_wait3A = arith.constant 0 : i32
        %dma_wait3A_114 = tpu.memref_slice %arg8[%rem3A_61, %dma_wait3A] : memref<4x2x!tpu.dma_semaphore, #tpu.memory_space<semaphore_mem>> -> memref<1x1x!tpu.dma_semaphore, #tpu.memory_space<semaphore_mem>>
        %dma_wait3A_115 = tpu.memref_squeeze %dma_wait3A_114 : memref<1x1x!tpu.dma_semaphore, #tpu.memory_space<semaphore_mem>> -> memref<!tpu.dma_semaphore, #tpu.memory_space<semaphore_mem>>
        %dma_wait3A_116 = arith.constant 0 : i32
        %dma_wait3A_117 = tpu.memref_slice %arg4[%add3A_113, %dma_wait3A_116] : memref<100000x1024xf32, #tpu.memory_space<hbm>> -> memref<1024x1024xf32, #tpu.memory_space<hbm>>
        %dma_wait3A_118 = arith.constant 0 : i32
        %dma_wait3A_119 = arith.constant 0 : i32
        %dma_wait3A_120 = tpu.memref_slice %arg6[%rem3A_61, %dma_wait3A_118, %dma_wait3A_119] : memref<4x2048x1024xf32, #tpu.memory_space<vmem>> -> memref<1x1024x1024xf32, #tpu.memory_space<vmem>>
        %dma_wait3A_121 = tpu.memref_squeeze %dma_wait3A_120 : memref<1x1024x1024xf32, #tpu.memory_space<vmem>> -> memref<1024x1024xf32, #tpu.memory_space<vmem>>
        tpu.wait_dma2 semaphore(%dma_wait3A_115 : memref<!tpu.dma_semaphore, #tpu.memory_space<semaphore_mem>>) src(%dma_wait3A_121 : memref<1024x1024xf32, #tpu.memory_space<vmem>>) dst(%dma_wait3A_117 : memref<1024x1024xf32, #tpu.memory_space<hbm>>)
        %mul3A_122 = arith.constant 2048 : i32
        %mul3A_123 = arith.muli %sub3A_59, %mul3A_122 : i32
        %add3A_124 = arith.constant 1024 : i32
        %add3A_125 = arith.addi %mul3A_123, %add3A_124 : i32
        %dma_wait3A_126 = arith.constant 1 : i32
        %dma_wait3A_127 = tpu.memref_slice %arg8[%rem3A_61, %dma_wait3A_126] : memref<4x2x!tpu.dma_semaphore, #tpu.memory_space<semaphore_mem>> -> memref<1x1x!tpu.dma_semaphore, #tpu.memory_space<semaphore_mem>>
        %dma_wait3A_128 = tpu.memref_squeeze %dma_wait3A_127 : memref<1x1x!tpu.dma_semaphore, #tpu.memory_space<semaphore_mem>> -> memref<!tpu.dma_semaphore, #tpu.memory_space<semaphore_mem>>
        %dma_wait3A_129 = arith.constant 0 : i32
        %dma_wait3A_130 = tpu.memref_slice %arg4[%add3A_125, %dma_wait3A_129] : memref<100000x1024xf32, #tpu.memory_space<hbm>> -> memref<1024x1024xf32, #tpu.memory_space<hbm>>
        %dma_wait3A_131 = arith.constant 1024 : i32
        %dma_wait3A_132 = arith.constant 0 : i32
        %dma_wait3A_133 = tpu.memref_slice %arg6[%rem3A_61, %dma_wait3A_131, %dma_wait3A_132] : memref<4x2048x1024xf32, #tpu.memory_space<vmem>> -> memref<1x1024x1024xf32, #tpu.memory_space<vmem>>
        %dma_wait3A_134 = tpu.memref_squeeze %dma_wait3A_133 : memref<1x1024x1024xf32, #tpu.memory_space<vmem>> -> memref<1024x1024xf32, #tpu.memory_space<vmem>>
        tpu.wait_dma2 semaphore(%dma_wait3A_128 : memref<!tpu.dma_semaphore, #tpu.memory_space<semaphore_mem>>) src(%dma_wait3A_134 : memref<1024x1024xf32, #tpu.memory_space<vmem>>) dst(%dma_wait3A_130 : memref<1024x1024xf32, #tpu.memory_space<hbm>>)
      } else {
      }
      %eq3A_67 = arith.constant 48 : i32
      %eq3A_68 = arith.cmpi eq, %sub3A_59, %eq3A_67 : i32
      %convert_element_type3A_69 = arith.extui %eq3A_68 : i1 to i32
      %cond3A_70 = arith.constant 0 : i32
      %cond3A_71 = arith.cmpi ne, %convert_element_type3A_69, %cond3A_70 : i32
      scf.if %cond3A_71 {
        %dma_wait3A = arith.constant 0 : i32
        %dma_wait3A_110 = tpu.memref_slice %arg8[%rem3A_61, %dma_wait3A] : memref<4x2x!tpu.dma_semaphore, #tpu.memory_space<semaphore_mem>> -> memref<1x1x!tpu.dma_semaphore, #tpu.memory_space<semaphore_mem>>
        %dma_wait3A_111 = tpu.memref_squeeze %dma_wait3A_110 : memref<1x1x!tpu.dma_semaphore, #tpu.memory_space<semaphore_mem>> -> memref<!tpu.dma_semaphore, #tpu.memory_space<semaphore_mem>>
        %dma_wait3A_112 = arith.constant 98304 : i32
        %dma_wait3A_113 = arith.constant 0 : i32
        %dma_wait3A_114 = tpu.memref_slice %arg4[%dma_wait3A_112, %dma_wait3A_113] : memref<100000x1024xf32, #tpu.memory_space<hbm>> -> memref<1696x1024xf32, #tpu.memory_space<hbm>>
        %dma_wait3A_115 = arith.constant 0 : i32
        %dma_wait3A_116 = arith.constant 0 : i32
        %dma_wait3A_117 = tpu.memref_slice %arg6[%rem3A_61, %dma_wait3A_115, %dma_wait3A_116] : memref<4x2048x1024xf32, #tpu.memory_space<vmem>> -> memref<1x1696x1024xf32, #tpu.memory_space<vmem>>
        %dma_wait3A_118 = tpu.memref_squeeze %dma_wait3A_117 : memref<1x1696x1024xf32, #tpu.memory_space<vmem>> -> memref<1696x1024xf32, #tpu.memory_space<vmem>>
        tpu.wait_dma2 semaphore(%dma_wait3A_111 : memref<!tpu.dma_semaphore, #tpu.memory_space<semaphore_mem>>) src(%dma_wait3A_118 : memref<1696x1024xf32, #tpu.memory_space<vmem>>) dst(%dma_wait3A_114 : memref<1696x1024xf32, #tpu.memory_space<hbm>>)
      } else {
      }
      %sub3A_72 = arith.constant 2 : i32
      %sub3A_73 = arith.subi %arg0, %sub3A_72 : i32
      %rem3A_74 = arith.constant 4 : i32
      %rem3A_75 = arith.remsi %sub3A_73, %rem3A_74 : i32
      %lt3A_76 = arith.constant 48 : i32
      %lt3A_77 = arith.cmpi slt, %sub3A_73, %lt3A_76 : i32
      %convert_element_type3A_78 = arith.extui %lt3A_77 : i1 to i32
      %cond3A_79 = arith.constant 0 : i32
      %cond3A_80 = arith.cmpi ne, %convert_element_type3A_78, %cond3A_79 : i32
      scf.if %cond3A_80 {
        %mul3A_110 = arith.constant 2048 : i32
        %mul3A_111 = arith.muli %sub3A_73, %mul3A_110 : i32
        %add3A_112 = arith.constant 0 : i32
        %add3A_113 = arith.addi %mul3A_111, %add3A_112 : i32
        %dma_wait3A = arith.constant 0 : i32
        %dma_wait3A_114 = tpu.memref_slice %arg8[%rem3A_75, %dma_wait3A] : memref<4x2x!tpu.dma_semaphore, #tpu.memory_space<semaphore_mem>> -> memref<1x1x!tpu.dma_semaphore, #tpu.memory_space<semaphore_mem>>
        %dma_wait3A_115 = tpu.memref_squeeze %dma_wait3A_114 : memref<1x1x!tpu.dma_semaphore, #tpu.memory_space<semaphore_mem>> -> memref<!tpu.dma_semaphore, #tpu.memory_space<semaphore_mem>>
        %dma_wait3A_116 = arith.constant 0 : i32
        %dma_wait3A_117 = tpu.memref_slice %arg4[%add3A_113, %dma_wait3A_116] : memref<100000x1024xf32, #tpu.memory_space<hbm>> -> memref<1024x1024xf32, #tpu.memory_space<hbm>>
        %dma_wait3A_118 = arith.constant 0 : i32
        %dma_wait3A_119 = arith.constant 0 : i32
        %dma_wait3A_120 = tpu.memref_slice %arg6[%rem3A_75, %dma_wait3A_118, %dma_wait3A_119] : memref<4x2048x1024xf32, #tpu.memory_space<vmem>> -> memref<1x1024x1024xf32, #tpu.memory_space<vmem>>
        %dma_wait3A_121 = tpu.memref_squeeze %dma_wait3A_120 : memref<1x1024x1024xf32, #tpu.memory_space<vmem>> -> memref<1024x1024xf32, #tpu.memory_space<vmem>>
        tpu.wait_dma2 semaphore(%dma_wait3A_115 : memref<!tpu.dma_semaphore, #tpu.memory_space<semaphore_mem>>) src(%dma_wait3A_121 : memref<1024x1024xf32, #tpu.memory_space<vmem>>) dst(%dma_wait3A_117 : memref<1024x1024xf32, #tpu.memory_space<hbm>>)
        %mul3A_122 = arith.constant 2048 : i32
        %mul3A_123 = arith.muli %sub3A_73, %mul3A_122 : i32
        %add3A_124 = arith.constant 1024 : i32
        %add3A_125 = arith.addi %mul3A_123, %add3A_124 : i32
        %dma_wait3A_126 = arith.constant 1 : i32
        %dma_wait3A_127 = tpu.memref_slice %arg8[%rem3A_75, %dma_wait3A_126] : memref<4x2x!tpu.dma_semaphore, #tpu.memory_space<semaphore_mem>> -> memref<1x1x!tpu.dma_semaphore, #tpu.memory_space<semaphore_mem>>
        %dma_wait3A_128 = tpu.memref_squeeze %dma_wait3A_127 : memref<1x1x!tpu.dma_semaphore, #tpu.memory_space<semaphore_mem>> -> memref<!tpu.dma_semaphore, #tpu.memory_space<semaphore_mem>>
        %dma_wait3A_129 = arith.constant 0 : i32
        %dma_wait3A_130 = tpu.memref_slice %arg4[%add3A_125, %dma_wait3A_129] : memref<100000x1024xf32, #tpu.memory_space<hbm>> -> memref<1024x1024xf32, #tpu.memory_space<hbm>>
        %dma_wait3A_131 = arith.constant 1024 : i32
        %dma_wait3A_132 = arith.constant 0 : i32
        %dma_wait3A_133 = tpu.memref_slice %arg6[%rem3A_75, %dma_wait3A_131, %dma_wait3A_132] : memref<4x2048x1024xf32, #tpu.memory_space<vmem>> -> memref<1x1024x1024xf32, #tpu.memory_space<vmem>>
        %dma_wait3A_134 = tpu.memref_squeeze %dma_wait3A_133 : memref<1x1024x1024xf32, #tpu.memory_space<vmem>> -> memref<1024x1024xf32, #tpu.memory_space<vmem>>
        tpu.wait_dma2 semaphore(%dma_wait3A_128 : memref<!tpu.dma_semaphore, #tpu.memory_space<semaphore_mem>>) src(%dma_wait3A_134 : memref<1024x1024xf32, #tpu.memory_space<vmem>>) dst(%dma_wait3A_130 : memref<1024x1024xf32, #tpu.memory_space<hbm>>)
      } else {
      }
      %eq3A_81 = arith.constant 48 : i32
      %eq3A_82 = arith.cmpi eq, %sub3A_73, %eq3A_81 : i32
      %convert_element_type3A_83 = arith.extui %eq3A_82 : i1 to i32
      %cond3A_84 = arith.constant 0 : i32
      %cond3A_85 = arith.cmpi ne, %convert_element_type3A_83, %cond3A_84 : i32
      scf.if %cond3A_85 {
        %dma_wait3A = arith.constant 0 : i32
        %dma_wait3A_110 = tpu.memref_slice %arg8[%rem3A_75, %dma_wait3A] : memref<4x2x!tpu.dma_semaphore, #tpu.memory_space<semaphore_mem>> -> memref<1x1x!tpu.dma_semaphore, #tpu.memory_space<semaphore_mem>>
        %dma_wait3A_111 = tpu.memref_squeeze %dma_wait3A_110 : memref<1x1x!tpu.dma_semaphore, #tpu.memory_space<semaphore_mem>> -> memref<!tpu.dma_semaphore, #tpu.memory_space<semaphore_mem>>
        %dma_wait3A_112 = arith.constant 98304 : i32
        %dma_wait3A_113 = arith.constant 0 : i32
        %dma_wait3A_114 = tpu.memref_slice %arg4[%dma_wait3A_112, %dma_wait3A_113] : memref<100000x1024xf32, #tpu.memory_space<hbm>> -> memref<1696x1024xf32, #tpu.memory_space<hbm>>
        %dma_wait3A_115 = arith.constant 0 : i32
        %dma_wait3A_116 = arith.constant 0 : i32
        %dma_wait3A_117 = tpu.memref_slice %arg6[%rem3A_75, %dma_wait3A_115, %dma_wait3A_116] : memref<4x2048x1024xf32, #tpu.memory_space<vmem>> -> memref<1x1696x1024xf32, #tpu.memory_space<vmem>>
        %dma_wait3A_118 = tpu.memref_squeeze %dma_wait3A_117 : memref<1x1696x1024xf32, #tpu.memory_space<vmem>> -> memref<1696x1024xf32, #tpu.memory_space<vmem>>
        tpu.wait_dma2 semaphore(%dma_wait3A_111 : memref<!tpu.dma_semaphore, #tpu.memory_space<semaphore_mem>>) src(%dma_wait3A_118 : memref<1696x1024xf32, #tpu.memory_space<vmem>>) dst(%dma_wait3A_114 : memref<1696x1024xf32, #tpu.memory_space<hbm>>)
      } else {
      }
      %sub3A_86 = arith.constant 3 : i32
      %sub3A_87 = arith.subi %arg0, %sub3A_86 : i32
      %rem3A_88 = arith.constant 4 : i32
      %rem3A_89 = arith.remsi %sub3A_87, %rem3A_88 : i32
      %lt3A_90 = arith.constant 48 : i32
      %lt3A_91 = arith.cmpi slt, %sub3A_87, %lt3A_90 : i32
      %convert_element_type3A_92 = arith.extui %lt3A_91 : i1 to i32
      %cond3A_93 = arith.constant 0 : i32
      %cond3A_94 = arith.cmpi ne, %convert_element_type3A_92, %cond3A_93 : i32
      scf.if %cond3A_94 {
        %mul3A_110 = arith.constant 2048 : i32
        %mul3A_111 = arith.muli %sub3A_87, %mul3A_110 : i32
        %add3A_112 = arith.constant 0 : i32
        %add3A_113 = arith.addi %mul3A_111, %add3A_112 : i32
        %dma_wait3A = arith.constant 0 : i32
        %dma_wait3A_114 = tpu.memref_slice %arg8[%rem3A_89, %dma_wait3A] : memref<4x2x!tpu.dma_semaphore, #tpu.memory_space<semaphore_mem>> -> memref<1x1x!tpu.dma_semaphore, #tpu.memory_space<semaphore_mem>>
        %dma_wait3A_115 = tpu.memref_squeeze %dma_wait3A_114 : memref<1x1x!tpu.dma_semaphore, #tpu.memory_space<semaphore_mem>> -> memref<!tpu.dma_semaphore, #tpu.memory_space<semaphore_mem>>
        %dma_wait3A_116 = arith.constant 0 : i32
        %dma_wait3A_117 = tpu.memref_slice %arg4[%add3A_113, %dma_wait3A_116] : memref<100000x1024xf32, #tpu.memory_space<hbm>> -> memref<1024x1024xf32, #tpu.memory_space<hbm>>
        %dma_wait3A_118 = arith.constant 0 : i32
        %dma_wait3A_119 = arith.constant 0 : i32
        %dma_wait3A_120 = tpu.memref_slice %arg6[%rem3A_89, %dma_wait3A_118, %dma_wait3A_119] : memref<4x2048x1024xf32, #tpu.memory_space<vmem>> -> memref<1x1024x1024xf32, #tpu.memory_space<vmem>>
        %dma_wait3A_121 = tpu.memref_squeeze %dma_wait3A_120 : memref<1x1024x1024xf32, #tpu.memory_space<vmem>> -> memref<1024x1024xf32, #tpu.memory_space<vmem>>
        tpu.wait_dma2 semaphore(%dma_wait3A_115 : memref<!tpu.dma_semaphore, #tpu.memory_space<semaphore_mem>>) src(%dma_wait3A_121 : memref<1024x1024xf32, #tpu.memory_space<vmem>>) dst(%dma_wait3A_117 : memref<1024x1024xf32, #tpu.memory_space<hbm>>)
        %mul3A_122 = arith.constant 2048 : i32
        %mul3A_123 = arith.muli %sub3A_87, %mul3A_122 : i32
        %add3A_124 = arith.constant 1024 : i32
        %add3A_125 = arith.addi %mul3A_123, %add3A_124 : i32
        %dma_wait3A_126 = arith.constant 1 : i32
        %dma_wait3A_127 = tpu.memref_slice %arg8[%rem3A_89, %dma_wait3A_126] : memref<4x2x!tpu.dma_semaphore, #tpu.memory_space<semaphore_mem>> -> memref<1x1x!tpu.dma_semaphore, #tpu.memory_space<semaphore_mem>>
        %dma_wait3A_128 = tpu.memref_squeeze %dma_wait3A_127 : memref<1x1x!tpu.dma_semaphore, #tpu.memory_space<semaphore_mem>> -> memref<!tpu.dma_semaphore, #tpu.memory_space<semaphore_mem>>
        %dma_wait3A_129 = arith.constant 0 : i32
        %dma_wait3A_130 = tpu.memref_slice %arg4[%add3A_125, %dma_wait3A_129] : memref<100000x1024xf32, #tpu.memory_space<hbm>> -> memref<1024x1024xf32, #tpu.memory_space<hbm>>
        %dma_wait3A_131 = arith.constant 1024 : i32
        %dma_wait3A_132 = arith.constant 0 : i32
        %dma_wait3A_133 = tpu.memref_slice %arg6[%rem3A_89, %dma_wait3A_131, %dma_wait3A_132] : memref<4x2048x1024xf32, #tpu.memory_space<vmem>> -> memref<1x1024x1024xf32, #tpu.memory_space<vmem>>
        %dma_wait3A_134 = tpu.memref_squeeze %dma_wait3A_133 : memref<1x1024x1024xf32, #tpu.memory_space<vmem>> -> memref<1024x1024xf32, #tpu.memory_space<vmem>>
        tpu.wait_dma2 semaphore(%dma_wait3A_128 : memref<!tpu.dma_semaphore, #tpu.memory_space<semaphore_mem>>) src(%dma_wait3A_134 : memref<1024x1024xf32, #tpu.memory_space<vmem>>) dst(%dma_wait3A_130 : memref<1024x1024xf32, #tpu.memory_space<hbm>>)
      } else {
      }
      %eq3A_95 = arith.constant 48 : i32
      %eq3A_96 = arith.cmpi eq, %sub3A_87, %eq3A_95 : i32
      %convert_element_type3A_97 = arith.extui %eq3A_96 : i1 to i32
      %cond3A_98 = arith.constant 0 : i32
      %cond3A_99 = arith.cmpi ne, %convert_element_type3A_97, %cond3A_98 : i32
      scf.if %cond3A_99 {
        %dma_wait3A = arith.constant 0 : i32
        %dma_wait3A_110 = tpu.memref_slice %arg8[%rem3A_89, %dma_wait3A] : memref<4x2x!tpu.dma_semaphore, #tpu.memory_space<semaphore_mem>> -> memref<1x1x!tpu.dma_semaphore, #tpu.memory_space<semaphore_mem>>
        %dma_wait3A_111 = tpu.memref_squeeze %dma_wait3A_110 : memref<1x1x!tpu.dma_semaphore, #tpu.memory_space<semaphore_mem>> -> memref<!tpu.dma_semaphore, #tpu.memory_space<semaphore_mem>>
        %dma_wait3A_112 = arith.constant 98304 : i32
        %dma_wait3A_113 = arith.constant 0 : i32
        %dma_wait3A_114 = tpu.memref_slice %arg4[%dma_wait3A_112, %dma_wait3A_113] : memref<100000x1024xf32, #tpu.memory_space<hbm>> -> memref<1696x1024xf32, #tpu.memory_space<hbm>>
        %dma_wait3A_115 = arith.constant 0 : i32
        %dma_wait3A_116 = arith.constant 0 : i32
        %dma_wait3A_117 = tpu.memref_slice %arg6[%rem3A_89, %dma_wait3A_115, %dma_wait3A_116] : memref<4x2048x1024xf32, #tpu.memory_space<vmem>> -> memref<1x1696x1024xf32, #tpu.memory_space<vmem>>
        %dma_wait3A_118 = tpu.memref_squeeze %dma_wait3A_117 : memref<1x1696x1024xf32, #tpu.memory_space<vmem>> -> memref<1696x1024xf32, #tpu.memory_space<vmem>>
        tpu.wait_dma2 semaphore(%dma_wait3A_111 : memref<!tpu.dma_semaphore, #tpu.memory_space<semaphore_mem>>) src(%dma_wait3A_118 : memref<1696x1024xf32, #tpu.memory_space<vmem>>) dst(%dma_wait3A_114 : memref<1696x1024xf32, #tpu.memory_space<hbm>>)
      } else {
      }
      %lt3A_100 = arith.constant 48 : i32
      %lt3A_101 = arith.cmpi slt, %arg0, %lt3A_100 : i32
      %convert_element_type3A_102 = arith.extui %lt3A_101 : i1 to i32
      %cond3A_103 = arith.constant 0 : i32
      %cond3A_104 = arith.cmpi ne, %convert_element_type3A_102, %cond3A_103 : i32
      scf.if %cond3A_104 {
        %mul3A_110 = arith.constant 2048 : i32
        %mul3A_111 = arith.muli %arg0, %mul3A_110 : i32
        %add3A_112 = arith.constant 0 : i32
        %add3A_113 = arith.addi %mul3A_111, %add3A_112 : i32
        %dma_wait3A = arith.constant 0 : i32
        %dma_wait3A_114 = tpu.memref_slice %arg8[%rem3A_0, %dma_wait3A] : memref<4x2x!tpu.dma_semaphore, #tpu.memory_space<semaphore_mem>> -> memref<1x1x!tpu.dma_semaphore, #tpu.memory_space<semaphore_mem>>
        %dma_wait3A_115 = tpu.memref_squeeze %dma_wait3A_114 : memref<1x1x!tpu.dma_semaphore, #tpu.memory_space<semaphore_mem>> -> memref<!tpu.dma_semaphore, #tpu.memory_space<semaphore_mem>>
        %dma_wait3A_116 = arith.constant 0 : i32
        %dma_wait3A_117 = tpu.memref_slice %arg4[%add3A_113, %dma_wait3A_116] : memref<100000x1024xf32, #tpu.memory_space<hbm>> -> memref<1024x1024xf32, #tpu.memory_space<hbm>>
        %dma_wait3A_118 = arith.constant 0 : i32
        %dma_wait3A_119 = arith.constant 0 : i32
        %dma_wait3A_120 = tpu.memref_slice %arg6[%rem3A_0, %dma_wait3A_118, %dma_wait3A_119] : memref<4x2048x1024xf32, #tpu.memory_space<vmem>> -> memref<1x1024x1024xf32, #tpu.memory_space<vmem>>
        %dma_wait3A_121 = tpu.memref_squeeze %dma_wait3A_120 : memref<1x1024x1024xf32, #tpu.memory_space<vmem>> -> memref<1024x1024xf32, #tpu.memory_space<vmem>>
        tpu.wait_dma2 semaphore(%dma_wait3A_115 : memref<!tpu.dma_semaphore, #tpu.memory_space<semaphore_mem>>) src(%dma_wait3A_121 : memref<1024x1024xf32, #tpu.memory_space<vmem>>) dst(%dma_wait3A_117 : memref<1024x1024xf32, #tpu.memory_space<hbm>>)
        %mul3A_122 = arith.constant 2048 : i32
        %mul3A_123 = arith.muli %arg0, %mul3A_122 : i32
        %add3A_124 = arith.constant 1024 : i32
        %add3A_125 = arith.addi %mul3A_123, %add3A_124 : i32
        %dma_wait3A_126 = arith.constant 1 : i32
        %dma_wait3A_127 = tpu.memref_slice %arg8[%rem3A_0, %dma_wait3A_126] : memref<4x2x!tpu.dma_semaphore, #tpu.memory_space<semaphore_mem>> -> memref<1x1x!tpu.dma_semaphore, #tpu.memory_space<semaphore_mem>>
        %dma_wait3A_128 = tpu.memref_squeeze %dma_wait3A_127 : memref<1x1x!tpu.dma_semaphore, #tpu.memory_space<semaphore_mem>> -> memref<!tpu.dma_semaphore, #tpu.memory_space<semaphore_mem>>
        %dma_wait3A_129 = arith.constant 0 : i32
        %dma_wait3A_130 = tpu.memref_slice %arg4[%add3A_125, %dma_wait3A_129] : memref<100000x1024xf32, #tpu.memory_space<hbm>> -> memref<1024x1024xf32, #tpu.memory_space<hbm>>
        %dma_wait3A_131 = arith.constant 1024 : i32
        %dma_wait3A_132 = arith.constant 0 : i32
        %dma_wait3A_133 = tpu.memref_slice %arg6[%rem3A_0, %dma_wait3A_131, %dma_wait3A_132] : memref<4x2048x1024xf32, #tpu.memory_space<vmem>> -> memref<1x1024x1024xf32, #tpu.memory_space<vmem>>
        %dma_wait3A_134 = tpu.memref_squeeze %dma_wait3A_133 : memref<1x1024x1024xf32, #tpu.memory_space<vmem>> -> memref<1024x1024xf32, #tpu.memory_space<vmem>>
        tpu.wait_dma2 semaphore(%dma_wait3A_128 : memref<!tpu.dma_semaphore, #tpu.memory_space<semaphore_mem>>) src(%dma_wait3A_134 : memref<1024x1024xf32, #tpu.memory_space<vmem>>) dst(%dma_wait3A_130 : memref<1024x1024xf32, #tpu.memory_space<hbm>>)
      } else {
      }
      %eq3A_105 = arith.constant 48 : i32
      %eq3A_106 = arith.cmpi eq, %arg0, %eq3A_105 : i32
      %convert_element_type3A_107 = arith.extui %eq3A_106 : i1 to i32
      %cond3A_108 = arith.constant 0 : i32
      %cond3A_109 = arith.cmpi ne, %convert_element_type3A_107, %cond3A_108 : i32
      scf.if %cond3A_109 {
        %dma_wait3A = arith.constant 0 : i32
        %dma_wait3A_110 = tpu.memref_slice %arg8[%rem3A_0, %dma_wait3A] : memref<4x2x!tpu.dma_semaphore, #tpu.memory_space<semaphore_mem>> -> memref<1x1x!tpu.dma_semaphore, #tpu.memory_space<semaphore_mem>>
        %dma_wait3A_111 = tpu.memref_squeeze %dma_wait3A_110 : memref<1x1x!tpu.dma_semaphore, #tpu.memory_space<semaphore_mem>> -> memref<!tpu.dma_semaphore, #tpu.memory_space<semaphore_mem>>
        %dma_wait3A_112 = arith.constant 98304 : i32
        %dma_wait3A_113 = arith.constant 0 : i32
        %dma_wait3A_114 = tpu.memref_slice %arg4[%dma_wait3A_112, %dma_wait3A_113] : memref<100000x1024xf32, #tpu.memory_space<hbm>> -> memref<1696x1024xf32, #tpu.memory_space<hbm>>
        %dma_wait3A_115 = arith.constant 0 : i32
        %dma_wait3A_116 = arith.constant 0 : i32
        %dma_wait3A_117 = tpu.memref_slice %arg6[%rem3A_0, %dma_wait3A_115, %dma_wait3A_116] : memref<4x2048x1024xf32, #tpu.memory_space<vmem>> -> memref<1x1696x1024xf32, #tpu.memory_space<vmem>>
        %dma_wait3A_118 = tpu.memref_squeeze %dma_wait3A_117 : memref<1x1696x1024xf32, #tpu.memory_space<vmem>> -> memref<1696x1024xf32, #tpu.memory_space<vmem>>
        tpu.wait_dma2 semaphore(%dma_wait3A_111 : memref<!tpu.dma_semaphore, #tpu.memory_space<semaphore_mem>>) src(%dma_wait3A_118 : memref<1696x1024xf32, #tpu.memory_space<vmem>>) dst(%dma_wait3A_114 : memref<1696x1024xf32, #tpu.memory_space<hbm>>)
      } else {
      }
    } else {
    }
    return
  }
  func.func @transform_1(%arg0: i32) -> (i32, i32) {
    %c0_i32 = arith.constant 0 : i32
    %c0_i32_0 = arith.constant 0 : i32
    %c0_i32_1 = arith.constant 0 : i32
    return %c0_i32, %c0_i32_0 : i32, i32
  }
  func.func @transform_2(%arg0: i32) -> (i32, i32) {
    %c0_i32 = arith.constant 0 : i32
    %c0_i32_0 = arith.constant 0 : i32
    %c0_i32_1 = arith.constant 0 : i32
    return %c0_i32, %c0_i32_0 : i32, i32
  }
}

</mosaic_0001>

<sc_bundles>
// kernel: kernel.4.cloned.1.call-start
scs
__scs_entry_jumppad:
0x0: {  	(pc) =	sbr.rel $0x88, $3  }
0x1: {  	(tag) =	ssettag $0x0;
	lr =	simm.s32 $0x1  }
0x2: {  	[smem:$0x3F9D] =	sst lr;
	_ =	strace $0xD0000000  }
0x3: {  	_ = 	snop  }
0x4: {  	_ = 	snop  }
0x5: {  	_ = 	snop  }
0x6: {  	_ = 	snop  }
0x7: {  	_ = 	snop  }
__scs_overlays_trampoline_lowered:
0x8: {  	[smem:$0x3FAC] =	sst s0  }
0x9: {  	[smem:$0x3FAD] =	sst s1  }
0xa: {  	[smem:$0x3FAE] =	sst s2  }
0xb: {  	[smem:$0x3FAF] =	sst s3  }
0xc: {  	[smem:$0x3FB0] =	sst s4  }
0xd: {  	[smem:$0x3FB1] =	sst s5  }
0xe: {  	[smem:$0x3FB2] =	sst s6  }
0xf: {  	[smem:$0x3FB3] =	sst s7  }
0x10: {  	[smem:$0x3FB4] =	sst s8  }
0x11: {  	[smem:$0x3FB5] =	sst s9;
	s0 =	simm.s32 @!p0 $0x0  }
0x12: {  	s1 =	sld [smem:$0x3F9B];
	s0 =	simm.s32 @p0 $0x1  }
0x13: {  	[smem:$0x3FB6] =	sst s0;
	s0 =	simm.s32 @!p1 $0x0  }
0x14: {  	s2 =	sld [smem:$0x3F9A];
	s0 =	simm.s32 @p1 $0x1  }
0x15: {  	[smem:$0x3FB7] =	sst s0;
	s0 =	simm.s32 @!p2 $0x0  }
0x16: {  	s3 =	sld [smem:$0x3FDB];
	s0 =	simm.s32 @p2 $0x1  }
0x17: {  	s4 =	simm.s32 $0x1BF5;
	[smem:$0x3FB9] =	sst s0  }
0x18: {  	s0 =	sld [smem:$0x3F9C];
	_ =	swait.ge [sflag:s4], $0x0  }
0x19: {  	s7 =	sld [smem:$0x3F9D]  }
0x1a: {  	s8 =	sadd.s32 $0xFFFFE003, lr  }
0x1b: {  	s9 =	sadd.s32 $0xFFFFFEF7, lr;
	s5 =	simm.s32 $0xFFFFFFFF;
	p2 =	slt.u32 s8, $0xFFFFF086  }
0x1c: {  	p1 =	slt.u32 s9, $0xF7A;
	s5 =	simm.s32 @!p2 $0x0  }
0x1d: {  	s5 =	simm.s32 @p1 $0x1;
	p0 =	seq.s32 s7, s2  }
0x1e: {  	s7 =	smul.u32 @!p0 $0xF7A, s2;
	p2 =	seq.s32 @!p0 s5, $0x0  }
0x1f: {  	s9 =	smul.u32 $0xF7A, s1;
	s8 =	simm.s32 @!p0 $0x1BF5;
	p2 =	por !p2, p0  }
0x20: {  	[sflag:s8] =	ssyncset.s32 @!p0 $0xFFFFF086;
	s6 =	sadd.s32 @!p0 s3, s7;
	s7 =	simm.s32 @!p0 $0x108  }
0x21: {  	s3 =	sadd.s32 s3, s9;
	s6 =	sadd.s32 @!p0 $0x88, s6;
	s7 =	simm.s32 @p2 $0x1082  }
0x22: {  	[simem:s7], [sflag:s8] =	dma.local @!p0 [hbm:s6], $0xF7A  }
0x23: {  	s9 =	sor.u32 $0xD0000000, s2;
	s6 =	simm.s32 $0x108;
	_ =	swait.ge @!p0 [sflag:s8], $0x0  }
0x24: {  	s3 =	sadd.s32 $0x88, s3;
	s6 =	simm.s32 @!p1 $0x1082;
	[sflag:s4] =	ssyncset.s32 $0xFFFFF086  }
0x25: {  	[simem:s6], [sflag:s4] =	dma.local [hbm:s3], $0xF7A  }
0x26: {  	[smem:$0x3F9D] =	sst s1;
	(tag) =	ssettag s2;
	_ =	strace s9  }
0x27: {  	s1 =	sld [smem:$0x3FAD]  }
0x28: {  	s2 =	sld [smem:$0x3FAE]  }
0x29: {  	s4 =	sld [smem:$0x3FB0]  }
0x2a: {  	p0 =	seq.s32 s5, $0x0;
	s5 =	sld [smem:$0x3FB1]  }
0x2b: {  	s6 =	sld [smem:$0x3FB2]  }
0x2c: {  	s7 =	sld [smem:$0x3FB3]  }
0x2d: {  	s3 =	simm.s32 $0x108;
	s8 =	sld [smem:$0x3FB4]  }
0x2e: {  	s3 =	simm.s32 @!p0 $0x1082;
	s9 =	sld [smem:$0x3FB5]  }
0x2f: {  	lr =	sadd.s32 s0, s3;
	s0 =	sld [smem:$0x3FAC]  }
0x30: {  	s3 =	sld [smem:$0x3FAF]  }
0x31: {  	[smem:$0x3FB8] =	sst s10  }
0x32: {  	s10 =	sld [smem:$0x3FB6];
	_ =	sdelay $0x3  }
0x33: {  	p0 =	seq.s32 s10, $0x1;
	s10 =	sld [smem:$0x3FB8];
	_ =	sdelay $0x3  }
0x34: {  	[smem:$0x3FB8] =	sst s10  }
0x35: {  	s10 =	sld [smem:$0x3FB7];
	_ =	sdelay $0x3  }
0x36: {  	p1 =	seq.s32 s10, $0x1;
	s10 =	sld [smem:$0x3FB8];
	_ =	sdelay $0x3  }
0x37: {  	[smem:$0x3FB8] =	sst s10  }
0x38: {  	s10 =	sld [smem:$0x3FB9]  }
0x39: {  	_ = 	snop;
	(pc) =	sbr.ind lr, $3  }
0x3a: {  	_ = 	snop  }
0x3b: {  	_ = 	snop  }
0x3c: {  	p2 =	seq.s32 s10, $0x1;
	s10 =	sld [smem:$0x3FB8]  }
0x3d: {  	_ =	shalt  }
0x3e: {  	_ =	shalt  }
0x3f: {  	_ =	shalt  }
0x40: {  	_ =	shalt  }
0x41: {  	_ =	shalt  }
0x42: {  	_ =	shalt  }
0x43: {  	_ =	shalt  }
0x44: {  	_ =	shalt  }
0x45: {  	_ =	shalt  }
0x46: {  	_ =	shalt  }
0x47: {  	_ =	shalt  }
0x48: {  	_ =	shalt  }
0x49: {  	_ =	shalt  }
0x4a: {  	_ =	shalt  }
0x4b: {  	_ =	shalt  }
0x4c: {  	_ =	shalt  }
0x4d: {  	_ =	shalt  }
0x4e: {  	_ =	shalt  }
0x4f: {  	_ =	shalt  }
0x50: {  	_ =	shalt  }
0x51: {  	_ =	shalt  }
0x52: {  	_ =	shalt  }
0x53: {  	_ =	shalt  }
0x54: {  	_ =	shalt  }
0x55: {  	_ =	shalt  }
0x56: {  	_ =	shalt  }
0x57: {  	_ =	shalt  }
0x58: {  	_ =	shalt  }
0x59: {  	_ =	shalt  }
0x5a: {  	_ =	shalt  }
0x5b: {  	_ =	shalt  }
0x5c: {  	_ =	shalt  }
0x5d: {  	_ =	shalt  }
0x5e: {  	_ =	shalt  }
0x5f: {  	_ =	shalt  }
0x60: {  	_ =	shalt  }
0x61: {  	_ =	shalt  }
0x62: {  	_ =	shalt  }
0x63: {  	_ =	shalt  }
0x64: {  	_ =	shalt  }
0x65: {  	_ =	shalt  }
0x66: {  	_ =	shalt  }
0x67: {  	_ =	shalt  }
0x68: {  	_ =	shalt  }
0x69: {  	_ =	shalt  }
0x6a: {  	_ =	shalt  }
0x6b: {  	_ =	shalt  }
0x6c: {  	_ =	shalt  }
0x6d: {  	_ =	shalt  }
0x6e: {  	_ =	shalt  }
0x6f: {  	_ =	shalt  }
0x70: {  	_ =	shalt  }
0x71: {  	_ =	shalt  }
0x72: {  	_ =	shalt  }
0x73: {  	_ =	shalt  }
0x74: {  	_ =	shalt  }
0x75: {  	_ =	shalt  }
0x76: {  	_ =	shalt  }
0x77: {  	_ =	shalt  }
0x78: {  	_ =	shalt  }
0x79: {  	_ =	shalt  }
0x7a: {  	_ =	shalt  }
0x7b: {  	_ =	shalt  }
0x7c: {  	_ =	shalt  }
0x7d: {  	_ =	shalt  }
0x7e: {  	_ =	shalt  }
0x7f: {  	_ =	shalt  }
0x80: {  	_ =	shalt  }
0x81: {  	_ =	shalt  }
0x82: {  	_ =	shalt  }
0x83: {  	_ =	shalt  }
0x84: {  	_ =	shalt  }
0x85: {  	_ =	shalt  }
0x86: {  	_ =	shalt  }
0x87: {  	_ =	shalt  }
.Lfunc_end0:
.L_simem_size_0:
called_computation_lowered:
.L_overlay_start_0:
0x88: {  	s2 =	sld [smem:$0x3FD9]  }
0x89: {  	s3 =	sld [smem:$0x3FFE];
	_ =	sdelay $0x1  }
0x8a: {  	s1 =	srdreg.scid  }
0x8b: {  	s0 =	sand.u32 $0x1, s1  }
0x8c: {  	s17 =	sshll.u32 s0, $0xA;
	s2 =	sadd.s32 s3, s2  }
0x8d: {  	s2 =	sadd.s32 s2, s17  }
0x8e: {  	[smem:$0x3FC4] =	sst s2  }
0x8f: {  	_ = 	snop  }
0x90: {  	s2 =	sld [smem:$0x3FD0];
	(tm) =	ssettm $0x1  }
0x91: {  	s18 =	sld [smem:$0x3FFB];
	_ =	sdelay $0x3  }
0x92: {  	_ =	strace s18  }
0x93: {  	s3 =	sld [smem:$0x3FFC];
	_ =	sdelay $0x3  }
0x94: {  	_ =	strace s3  }
0x95: {  	s3 =	sld [smem:$0x3FFD];
	_ =	sdelay $0x3  }
0x96: {  	_ =	strace s3  }
0x97: {  	_ =	strace $0x8FFFFFFF  }
0x98: {  	s19 =	sld [smem:$0x3FDB];
	_ =	sdelay $0x1  }
0x99: {  	s4 =	simm.s32 $_scs_section_size  }
0x9a: {  	s5 =	simm.s32 $_size__tile_overlayer_lowered;
	s6 =	simm.s32 $_tile_overlayer_lowered  }
0x9b: {  	s22 =	simm.s32 $0x1BFF;
	s21 =	sshll.u32 s6, $0x1;
	s3 =	sadd.s32 s4, s19  }
0x9c: {  	s7 =	simm.s32 $0x0;
	s20 =	sshll.u32 s5, $0x1;
	s5 =	sadd.s32 s21, s3  }
0x9d: {  	[timem:s7], [sflag:s22] =	dma.local [hbm:s5], s20  }
0x9e: {  	_ =	swait.ge [sflag:s22], s20  }
0x9f: {  	s4 =	ssub.s32 $0x0, s20;
	[sflag:s22] =	ssyncset.done $0x0  }
0xa0: {  	[sflag:s22] =	ssyncadd.s32 s4;
	_ =	sdelay $0x1  }
0xa1: {  	s23 =	simm.s32 $0x1B8B  }
0xa2: {  	_ =	swait.ge [sflag:s23], $0x1  }
0xa3: {  	[sflag:s23] =	ssyncset.done $0x0  }
0xa4: {  	s25 =	simm.s32 $0x1B8E;
	s24 =	sld [smem:$0x3FFE];
	[sflag:s23] =	ssyncadd.s32 $0xFFFFFFFF  }
0xa5: {  	s26 =	simm.s32 $execute0_lowered;
	[smem:$0x3FD2] =	sst s25  }
0xa6: {  	s5 =	sshll.u32 s26, $0x1;
	_ =	strace $0x80000046;
	[dreg:$0x1] =	wrdreg $0xFFFFFFFF  }
0xa7: {  	s28 =	simm.s32 $_size_execute0_lowered;
	s3 =	sadd.s32 s3, s5;
	[dreg:$0x0] =	wrdreg $0x0  }
0xa8: {  	s5 =	sshll.u32 s28, $0x1;
	[dreg:$0x2] =	wrdreg s3  }
0xa9: {  	[dreg:$0x3] =	wrdreg s5  }
0xaa: {  	[dreg:$0x4] =	wrdreg $0xC0  }
0xab: {  	_ =	task [dreg:s7], $0x5FFFF  }
0xac: {  	[dreg:$0x1] =	wrdreg $0xFFFFFFFF  }
0xad: {  	[dreg:$0x0] =	wrdreg $0x60  }
0xae: {  	[dreg:$0x2] =	wrdreg s24  }
0xaf: {  	[dreg:$0x3] =	wrdreg s2  }
0xb0: {  	[dreg:$0x4] =	wrdreg $0x9  }
0xb1: {  	_ =	task.clear_ibuf [dreg:s7], $0x5FFFF;
	_ =	strace $0x90000046  }
0xb2: {  	s29 =	simm.s32 $0x9;
	_ =	strace $0x80000048  }
0xb3: {  	_ =	swait.ge [sflag:s29], $0x1  }
0xb4: {  	[sflag:s29] =	ssyncadd.s32 $0xFFFFFFFF  }
0xb5: {  	_ =	strace $0x90000048  }
0xb6: {  	_ =	sfence  }
0xb7: {  	s30 =	sld [smem:$0x0];
	_ =	sdelay $0x2  }
0xb8: {  	s31 =	sshll.u32 s1, $0xD;
	s1 =	sshrl.u32 s1, $0x2  }
0xb9: {  	s3 =	sand.u32 $0x4000, s31;
	s1 =	sadd.s32 s1, s30  }
0xba: {  	s0 =	sor.u32 s3, s0;
	s1 =	sshll.u32 s1, $0x11  }
0xbb: {  	s0 =	sor.u32 s1, s0  }
0xbc: {  	s0 =	sadd.s32 $0x8F2B, s0  }
0xbd: {  	[sflag:s0] =	ssyncadd.remote.s32 $0x1  }
0xbe: {  	_ =	sfence.sel $0xFFFF  }
0xbf: {  	[dreg:$0x0] =	wrdreg $0xFFFFFFFF;
	(pc) =	sbr.abs _section_cstart, $3  }
0xc0: {  	[dreg:$0x1] =	wrdreg $0xFFFFFFFF  }
0xc1: {  	_ =	task.clear_ibuf [dreg:s7], $0x2FFFF;
	_ =	strace $0x9FFFFFFF  }
0xc2: {  	(tm) =	ssettm $0x7FFFFFFF  }
0xc3: {  	_ =	shalt  }
tec
execute0_lowered:
.L_overlay_start_1:
0x0: {  	(tag) =	ssettag $0x1  }
0x1: {  	s1 =	srdreg.scid;
	s0 =	stileid.u32  }
0x2: {  	s16 =	sand.u32 $0x1, s1;
	s30 =	sshll.u32 s0, $0x1  }
0x3: {  	s5 =	rddreg [dreg:$0x0];
	s17 =	sor.u32 s16, s30  }
0x4: {  	s18 =	rddreg [dreg:$0x1];
	s3 =	smul.u32 $0x50, s17  }
0x5: {  	s2 =	simm.s32 $0x0;
	s1 =	rddreg [dreg:$0x2]  }
0x6: {  	[smem:$0x7FF] =	sst s2;
	s3 =	sadd.s32 s3, s5  }
0x7: {  	_ =	strace $0x80000047;
	s4 =	sadd.s32 $0x200, s3;
	s3 =	simm.s32 $0x2  }
0x8: {  	[tilespmem:s2], [sflag:$0x2] =	stream.linear.gather [hbm4b:s4+s2], $0x280, $0x38;
	[tilespmem:$0x5280] =	vst v63  }
0x9: {  	_ =	swait.ge [sflag:s3], $0x280  }
0xa: {  	s6 =	simm.s32 $0x80;
	[sflag:s3] =	ssyncset.done $0x0  }
0xb: {  	s7 =	simm.s32 $0x280;
	s5 =	sadd.s32 $0xC00, s5;
	[sflag:s3] =	ssyncadd.s32 $0xFFFFFD80  }
0xc: {  	[tilespmem:s7], [sflag:$0x1] =	stream.indirect.gather [hbm4b:s5+s6], $0x20, s2, s6, $0xb8;
	[tilespmem:$0x5280] =	vst v63  }
0xd: {  	s8 =	simm.s32 $0x1280  }
0xe: {  	[tilespmem:s8], [sflag:$0x1] =	stream.indirect.gather [hbm4b:s5+s6], $0x20, s6, s6, $0xb8;
	[tilespmem:$0x5280] =	vst v63  }
0xf: {  	s9 =	simm.s32 $0x100;
	s10 =	simm.s32 $0x2280  }
0x10: {  	[tilespmem:s10], [sflag:$0x1] =	stream.indirect.gather [hbm4b:s5+s6], $0x20, s9, s6, $0xb8;
	[tilespmem:$0x5280] =	vst v63  }
0x11: {  	s11 =	simm.s32 $0x180;
	s12 =	simm.s32 $0x3280  }
0x12: {  	[tilespmem:s12], [sflag:$0x1] =	stream.indirect.gather [hbm4b:s5+s6], $0x20, s11, s6, $0xb8;
	[tilespmem:$0x5280] =	vst v63  }
0x13: {  	s13 =	simm.s32 $0x200;
	s14 =	simm.s32 $0x4280;
	s15 =	simm.s32 $0x1  }
0x14: {  	[tilespmem:s14], [sflag:$0x1] =	stream.indirect.gather [hbm4b:s5+s6], $0x20, s13, s6, $0xb8;
	[tilespmem:$0x5280] =	vst v63  }
0x15: {  	_ =	swait.ge [sflag:s15], $0x1000  }
0x16: {  	[sflag:s15] =	ssyncset.done $0x0  }
0x17: {  	[sflag:s15] =	ssyncadd.s32 $0xFFFFF000  }
0x18: {  	_ =	swait.ge [sflag:s15], $0x1000  }
0x19: {  	[sflag:s15] =	ssyncset.done $0x0  }
0x1a: {  	[sflag:s15] =	ssyncadd.s32 $0xFFFFF000  }
0x1b: {  	_ =	swait.ge [sflag:s15], $0x1000  }
0x1c: {  	[sflag:s15] =	ssyncset.done $0x0  }
0x1d: {  	s16 =	ssub.s32 $0x2, s16;
	[sflag:s15] =	ssyncadd.s32 $0xFFFFF000  }
0x1e: {  	s19 =	sshrl.u32 s16, $0x1;
	_ =	swait.ge [sflag:s15], $0x1000  }
0x1f: {  	s19 =	ssub.s32 s16, s19;
	[sflag:s15] =	ssyncset.done $0x0  }
0x20: {  	s31 =	smax.u32 s19, $0x1;
	[sflag:s15] =	ssyncadd.s32 $0xFFFFF000  }
0x21: {  	s17 =	smul.u32 $0xA00, s17;
	p0 =	sne.s32 s31, $0x1;
	_ =	swait.ge [sflag:s15], $0x1000  }
.Ltmp0:
0x22: {  	[sflag:s15] =	ssyncset.done $0x0;
	(pc) =	sbr.rel @!p0 .LBB2_2-.Ltmp0, $4  }
0x23: {  	s16 =	sadd.s32 s18, s17;
	[sflag:s15] =	ssyncadd.s32 $0xFFFFF000  }
0x24: {  	[hbm4b:s16+s2] =	stream.linear.scatter [tilespmem:s7], [sflag:$0x2], $0x5000, $0x38;
	[tilespmem:$0x5280] =	vst v63  }
0x25: {  	_ =	swait.ge [sflag:s3], $0x5000  }
0x26: {  	s17 =	sadd.s32 $0xFFFFFFFF, s31;
	[sflag:s3] =	ssyncset.done $0x0  }
.LBB2_1:
0x27: {  	p0 =	sne.s32 s17, $0x1;
	s17 =	sadd.s32 $0xFFFFFFFF, s17;
	[sflag:s3] =	ssyncadd.s32 $0xFFFFB000  }
0x28: {  	[tilespmem:s2], [sflag:$0x2] =	stream.linear.gather [hbm4b:s4+s2], $0x280, $0x38;
	[tilespmem:$0x5280] =	vst v63  }
0x29: {  	_ =	swait.ge [sflag:s3], $0x280  }
0x2a: {  	[sflag:s3] =	ssyncset.done $0x0  }
0x2b: {  	[sflag:s3] =	ssyncadd.s32 $0xFFFFFD80  }
0x2c: {  	[tilespmem:s7], [sflag:$0x1] =	stream.indirect.gather [hbm4b:s5+s6], $0x20, s2, s6, $0xb8;
	[tilespmem:$0x5280] =	vst v63  }
0x2d: {  	_ = 	snop  }
0x2e: {  	[tilespmem:s8], [sflag:$0x1] =	stream.indirect.gather [hbm4b:s5+s6], $0x20, s6, s6, $0xb8;
	[tilespmem:$0x5280] =	vst v63  }
0x2f: {  	_ = 	snop  }
0x30: {  	[tilespmem:s10], [sflag:$0x1] =	stream.indirect.gather [hbm4b:s5+s6], $0x20, s9, s6, $0xb8;
	[tilespmem:$0x5280] =	vst v63  }
0x31: {  	_ = 	snop  }
0x32: {  	[tilespmem:s12], [sflag:$0x1] =	stream.indirect.gather [hbm4b:s5+s6], $0x20, s11, s6, $0xb8;
	[tilespmem:$0x5280] =	vst v63  }
0x33: {  	_ = 	snop  }
0x34: {  	[tilespmem:s14], [sflag:$0x1] =	stream.indirect.gather [hbm4b:s5+s6], $0x20, s13, s6, $0xb8;
	[tilespmem:$0x5280] =	vst v63  }
0x35: {  	_ =	swait.ge [sflag:s15], $0x1000  }
0x36: {  	[sflag:s15] =	ssyncset.done $0x0  }
0x37: {  	[sflag:s15] =	ssyncadd.s32 $0xFFFFF000  }
0x38: {  	_ =	swait.ge [sflag:s15], $0x1000  }
0x39: {  	[sflag:s15] =	ssyncset.done $0x0  }
0x3a: {  	[sflag:s15] =	ssyncadd.s32 $0xFFFFF000  }
0x3b: {  	_ =	swait.ge [sflag:s15], $0x1000  }
0x3c: {  	[sflag:s15] =	ssyncset.done $0x0  }
0x3d: {  	[sflag:s15] =	ssyncadd.s32 $0xFFFFF000  }
0x3e: {  	_ =	swait.ge [sflag:s15], $0x1000  }
0x3f: {  	[sflag:s15] =	ssyncset.done $0x0  }
0x40: {  	[sflag:s15] =	ssyncadd.s32 $0xFFFFF000  }
0x41: {  	_ =	swait.ge [sflag:s15], $0x1000  }
.Ltmp1:
0x42: {  	[sflag:s15] =	ssyncset.done $0x0;
	(pc) =	sbr.rel @p0 .LBB2_1-.Ltmp1, $4  }
0x43: {  	[sflag:s15] =	ssyncadd.s32 $0xFFFFF000  }
0x44: {  	[hbm4b:s16+s2] =	stream.linear.scatter [tilespmem:s7], [sflag:$0x2], $0x5000, $0x38;
	[tilespmem:$0x5280] =	vst v63  }
0x45: {  	_ =	swait.ge [sflag:s3], $0x5000  }
0x46: {  	[sflag:s3] =	ssyncset.done $0x0  }
.LBB2_2:
0x47: {  	[sflag:s3] =	ssyncadd.s32 $0xFFFFB000  }
0x48: {  	_ =	sfence.sel $0x180000  }
0x49: {  	[bflag:$0x0] =	sbarrier.arrive $0xFFFF  }
0x4a: {  	p0 =	sne.s32 s0, $0x0;
	_ =	strace $0x90000047  }
0x4b: {  	s0 =	sadd.s32 @!p0 $0x100000, s1;
	[bflag:$0x2] =	sbarrier.arrive $0xFFFF  }
0x4c: {  	[sflag:s0] =	ssyncadd.tile.s32 @!p0 $0x1;
	_ =	shalt  }
.Lfunc_end2:
_tile_overlayer_lowered:
.L_overlay_start_2:
0x4d: {  	(tag) =	ssettag $0x2  }
0x4e: {  	s0 =	rddreg [dreg:$0x0];
	s2 =	stileid.u32  }
0x4f: {  	s1 =	rddreg [dreg:$0x1];
	p0 =	sne.s32 s2, $0x0  }
0x50: {  	s3 =	rddreg [dreg:$0x2];
	[bflag:$0x3] =	sbarrier.arrive $0xFFFF;
	s2 =	simm.s32 @!p0 $0x1C02  }
0x51: {  	[timem:s3], [sflag:s2] =	dma.local @!p0 [hbm:s0], s1  }
0x52: {  	s0 =	simm.s32 @!p0 $0x2  }
0x53: {  	_ =	swait.ge @!p0 [sflag:s0], s1  }
0x54: {  	s1 =	ssub.s32 @!p0 $0x0, s1;
	[sflag:s0] =	ssyncset.done @!p0 $0x0  }
0x55: {  	[sflag:s0] =	ssyncadd.s32 @!p0 s1  }
0x56: {  	[bflag:$0x3] =	sbarrier.arrive $0xFFFF  }
0x57: {  	_ =	shalt  }

</sc_bundles>
